<compile_context>
chip_gen: v7x
topology: tpu7x:2x2x1
jax: 0.10.2.dev20260603
libtpu: 0.0.44.dev20260713+nightly
codegen_flags: <defaults>
</compile_context>

<pallas_src>
import functools

import jax
import jax.numpy as jnp
from jax import lax
from jax.experimental import pallas as pl
from jax.experimental.pallas import tpu as pltpu
from jax.experimental.pallas import tpu_sc as plsc

VOCAB = 1000000
EMBED_DIM = 64
BATCH = 16384
HIST = 200
PAD_DIM = 128

NUM_CORES = 2
NUM_SUBCORES = 16
NUM_WORKERS = NUM_CORES * NUM_SUBCORES

B = BATCH * HIST
B_PER_W = B // NUM_WORKERS
CHUNK = 400
N_CHUNKS = B_PER_W // CHUNK

assert B_PER_W * NUM_WORKERS == B
assert N_CHUNKS * CHUNK == B_PER_W
assert N_CHUNKS % 4 == 0 and N_CHUNKS >= 12
assert CHUNK % 8 == 0
assert 4 * CHUNK * EMBED_DIM * 4 + 4 * CHUNK * 4 < 524284


def _make_kernel():
    mesh = plsc.VectorSubcoreMesh(core_axis_name="c", subcore_axis_name="s")

    @functools.partial(
        pl.kernel,
        mesh=mesh,
        out_type=jax.ShapeDtypeStruct((B, PAD_DIM), jnp.float32),
        scratch_types=[
            pltpu.VMEM((CHUNK,), jnp.int32),
            pltpu.VMEM((CHUNK,), jnp.int32),
            pltpu.VMEM((CHUNK,), jnp.int32),
            pltpu.VMEM((CHUNK,), jnp.int32),
            pltpu.VMEM((CHUNK, EMBED_DIM), jnp.float32),
            pltpu.VMEM((CHUNK, EMBED_DIM), jnp.float32),
            pltpu.VMEM((CHUNK, EMBED_DIM), jnp.float32),
            pltpu.VMEM((CHUNK, EMBED_DIM), jnp.float32),
            pltpu.SemaphoreType.DMA,
            pltpu.SemaphoreType.DMA,
            pltpu.SemaphoreType.DMA,
            pltpu.SemaphoreType.DMA,
            pltpu.SemaphoreType.DMA,
            pltpu.SemaphoreType.DMA,
            pltpu.SemaphoreType.DMA,
            pltpu.SemaphoreType.DMA,
            pltpu.SemaphoreType.DMA,
            pltpu.SemaphoreType.DMA,
            pltpu.SemaphoreType.DMA,
            pltpu.SemaphoreType.DMA,
        ],
        compiler_params=pltpu.CompilerParams(use_tc_tiling_on_sc=False),
    )
    def gather_kernel(idx_hbm, table_hbm, out_hbm,
                      i0, i1, i2, i3, g0, g1, g2, g3,
                      si0, si1, si2, si3,
                      sg0, sg1, sg2, sg3,
                      sw0, sw1, sw2, sw3):
        ibuf = [i0, i1, i2, i3]
        gbuf = [g0, g1, g2, g3]
        sem_i = [si0, si1, si2, si3]
        sem_g = [sg0, sg1, sg2, sg3]
        sem_w = [sw0, sw1, sw2, sw3]

        wid = lax.axis_index("s") * NUM_CORES + lax.axis_index("c")
        base = wid * B_PER_W

        def idx_start(g, b):
            pltpu.async_copy(idx_hbm.at[pl.ds(base + g * CHUNK, CHUNK)],
                             ibuf[b], sem_i[b])

        def idx_wait(b):
            pltpu.make_async_copy(idx_hbm.at[pl.ds(base, CHUNK)],
                                  ibuf[b], sem_i[b]).wait()

        def gather_start(bi, bg):
            pltpu.async_copy(table_hbm.at[ibuf[bi]], gbuf[bg], sem_g[bg])

        def gather_wait(bi, bg):
            pltpu.make_async_copy(table_hbm.at[ibuf[bi]],
                                  gbuf[bg], sem_g[bg]).wait()

        def wb_start(g, b):
            pltpu.async_copy(
                gbuf[b],
                out_hbm.at[pl.ds(base + g * CHUNK, CHUNK),
                           pl.ds(0, EMBED_DIM)],
                sem_w[b])

        def wb_wait(b):
            pltpu.make_async_copy(
                gbuf[b],
                out_hbm.at[pl.ds(base, CHUNK), pl.ds(0, EMBED_DIM)],
                sem_w[b]).wait()

        for j in range(4):
            idx_start(j, j)
        idx_wait(0)
        gather_start(0, 0)
        idx_wait(1)
        gather_start(1, 1)
        for j in range(4):
            gather_wait(j % 4, j % 4)
            wb_start(j, j % 4)
            idx_wait((j + 2) % 4)
            if j >= 2:
                wb_wait((j + 2) % 4)
            gather_start((j + 2) % 4, (j + 2) % 4)
            idx_start(j + 4, j)

        def quad(k, carry):
            for j in range(4):
                g = 4 * k + j
                gather_wait(j % 4, j % 4)
                wb_start(g, j % 4)
                idx_wait((j + 2) % 4)
                wb_wait((j + 2) % 4)
                gather_start((j + 2) % 4, (j + 2) % 4)
                idx_start(jnp.minimum(g + 4, N_CHUNKS - 1), j)
            return carry

        lax.fori_loop(1, N_CHUNKS // 4, quad, 0)

        wb_wait(2)
        wb_wait(3)
        gather_wait(0, 0)
        gather_wait(1, 1)
        idx_wait(2)
        idx_wait(3)

    return gather_kernel


_gather = _make_kernel()


def kernel(product_ids, table):
    idx = product_ids.reshape(B).astype(jnp.int32)
    rows = _gather(idx, table)
    return rows[:, :EMBED_DIM].reshape(BATCH, HIST, EMBED_DIM)

# --- scband reference (transcript-rebuilt; emitter-appended) ---
"""Pipeline reference for scband-product-tower-44598940402192 (READ-ONLY COPY).

The authoritative reference and input builder live on the scoring server;
editing this copy changes nothing except your own understanding.
"""

import jax, jax.numpy as jnp
import numpy as np

VOCAB = 1000000
EMBED_DIM = 64
BATCH = 16384
HIST = 200

def setup_inputs(seed: int = 0) -> dict:
    key = jax.random.key(seed)
    k1, k2 = jax.random.split(key)
    product_ids = jax.random.randint(k1, (BATCH, HIST), 0, VOCAB, dtype=jnp.int64 if jax.config.jax_enable_x64 else jnp.int32)
    table = jax.random.normal(k2, (VOCAB, EMBED_DIM), dtype=jnp.float32)
    return {"product_ids": product_ids, "table": table}

def reference(product_ids, table):
    # nn.Embedding forward: gather rows of the table by index
    return jnp.take(table, product_ids, axis=0)

if __name__ == "__main__":
    import jax
    _d = setup_inputs()
    print(jax.jit(kernel)(*tuple(_d.values())))

</pallas_src>

<mosaic_0001>
#map = affine_map<(d0, d1) -> (0)>
#map1 = affine_map<(d0, d1) -> (0, 0)>
module attributes {stable_mosaic.version = 14 : i64} {
  func.func @gather_kernel(%arg0: i32, %arg1: i32, %arg2: memref<3276800xi32, #tpu.memory_space<hbm>>, %arg3: memref<1000000x64xf32, #tpu.memory_space<hbm>>, %arg4: memref<3276800x128xf32, #tpu.memory_space<hbm>>, %arg5: memref<400xi32, #tpu.memory_space<vmem>>, %arg6: memref<400xi32, #tpu.memory_space<vmem>>, %arg7: memref<400xi32, #tpu.memory_space<vmem>>, %arg8: memref<400xi32, #tpu.memory_space<vmem>>, %arg9: memref<400x64xf32, #tpu.memory_space<vmem>>, %arg10: memref<400x64xf32, #tpu.memory_space<vmem>>, %arg11: memref<400x64xf32, #tpu.memory_space<vmem>>, %arg12: memref<400x64xf32, #tpu.memory_space<vmem>>, %arg13: memref<!tpu.dma_semaphore, #tpu.memory_space<semaphore_mem>>, %arg14: memref<!tpu.dma_semaphore, #tpu.memory_space<semaphore_mem>>, %arg15: memref<!tpu.dma_semaphore, #tpu.memory_space<semaphore_mem>>, %arg16: memref<!tpu.dma_semaphore, #tpu.memory_space<semaphore_mem>>, %arg17: memref<!tpu.dma_semaphore, #tpu.memory_space<semaphore_mem>>, %arg18: memref<!tpu.dma_semaphore, #tpu.memory_space<semaphore_mem>>, %arg19: memref<!tpu.dma_semaphore, #tpu.memory_space<semaphore_mem>>, %arg20: memref<!tpu.dma_semaphore, #tpu.memory_space<semaphore_mem>>, %arg21: memref<!tpu.dma_semaphore, #tpu.memory_space<semaphore_mem>>, %arg22: memref<!tpu.dma_semaphore, #tpu.memory_space<semaphore_mem>>, %arg23: memref<!tpu.dma_semaphore, #tpu.memory_space<semaphore_mem>>, %arg24: memref<!tpu.dma_semaphore, #tpu.memory_space<semaphore_mem>>) attributes {dimension_semantics = [#tpu.dimension_semantics<core_parallel>, #tpu.dimension_semantics<subcore_parallel>], iteration_bounds = array<i64: 2, 16>, scalar_prefetch = 0 : i64, scratch_operands = 20 : i64, tpu.core_type = #tpu.core_type<sc_vector_subcore>, window_params = [{transform_indices = #map}, {transform_indices = #map1}, {transform_indices = #map1}]} {
    %mul3A = arith.constant 2 : i32
    %mul3A_0 = arith.muli %arg1, %mul3A : i32
    %add3A = arith.addi %mul3A_0, %arg0 : i32
    %mul3A_1 = arith.constant 102400 : i32
    %mul3A_2 = arith.muli %add3A, %mul3A_1 : i32
    %add3A_3 = arith.constant 0 : i32
    %add3A_4 = arith.addi %mul3A_2, %add3A_3 : i32
    %dma_start3A = tpu.memref_slice %arg2[%add3A_4] : memref<3276800xi32, #tpu.memory_space<hbm>> -> memref<400xi32, #tpu.memory_space<hbm>>
    %dma_start3A_5 = tpu.memref_slice %arg2[%add3A_4] : memref<3276800xi32, #tpu.memory_space<hbm>> -> memref<400xi32, #tpu.memory_space<hbm>>
    tpu.enqueue_dma source(%dma_start3A_5 : memref<400xi32, #tpu.memory_space<hbm>>) target(%arg5 : memref<400xi32, #tpu.memory_space<vmem>>) target_semaphore(%arg13 : memref<!tpu.dma_semaphore, #tpu.memory_space<semaphore_mem>>)
    %add3A_6 = arith.constant 400 : i32
    %add3A_7 = arith.addi %mul3A_2, %add3A_6 : i32
    %dma_start3A_8 = tpu.memref_slice %arg2[%add3A_7] : memref<3276800xi32, #tpu.memory_space<hbm>> -> memref<400xi32, #tpu.memory_space<hbm>>
    %dma_start3A_9 = tpu.memref_slice %arg2[%add3A_7] : memref<3276800xi32, #tpu.memory_space<hbm>> -> memref<400xi32, #tpu.memory_space<hbm>>
    tpu.enqueue_dma source(%dma_start3A_9 : memref<400xi32, #tpu.memory_space<hbm>>) target(%arg6 : memref<400xi32, #tpu.memory_space<vmem>>) target_semaphore(%arg14 : memref<!tpu.dma_semaphore, #tpu.memory_space<semaphore_mem>>)
    %add3A_10 = arith.constant 800 : i32
    %add3A_11 = arith.addi %mul3A_2, %add3A_10 : i32
    %dma_start3A_12 = tpu.memref_slice %arg2[%add3A_11] : memref<3276800xi32, #tpu.memory_space<hbm>> -> memref<400xi32, #tpu.memory_space<hbm>>
    %dma_start3A_13 = tpu.memref_slice %arg2[%add3A_11] : memref<3276800xi32, #tpu.memory_space<hbm>> -> memref<400xi32, #tpu.memory_space<hbm>>
    tpu.enqueue_dma source(%dma_start3A_13 : memref<400xi32, #tpu.memory_space<hbm>>) target(%arg7 : memref<400xi32, #tpu.memory_space<vmem>>) target_semaphore(%arg15 : memref<!tpu.dma_semaphore, #tpu.memory_space<semaphore_mem>>)
    %add3A_14 = arith.constant 1200 : i32
    %add3A_15 = arith.addi %mul3A_2, %add3A_14 : i32
    %dma_start3A_16 = tpu.memref_slice %arg2[%add3A_15] : memref<3276800xi32, #tpu.memory_space<hbm>> -> memref<400xi32, #tpu.memory_space<hbm>>
    %dma_start3A_17 = tpu.memref_slice %arg2[%add3A_15] : memref<3276800xi32, #tpu.memory_space<hbm>> -> memref<400xi32, #tpu.memory_space<hbm>>
    tpu.enqueue_dma source(%dma_start3A_17 : memref<400xi32, #tpu.memory_space<hbm>>) target(%arg8 : memref<400xi32, #tpu.memory_space<vmem>>) target_semaphore(%arg16 : memref<!tpu.dma_semaphore, #tpu.memory_space<semaphore_mem>>)
    %dma_wait3A = tpu.memref_slice %arg2[%mul3A_2] : memref<3276800xi32, #tpu.memory_space<hbm>> -> memref<400xi32, #tpu.memory_space<hbm>>
    %dma_wait3A_18 = tpu.memref_slice %arg2[%mul3A_2] : memref<3276800xi32, #tpu.memory_space<hbm>> -> memref<400xi32, #tpu.memory_space<hbm>>
    tpu.wait_dma2 semaphore(%arg13 : memref<!tpu.dma_semaphore, #tpu.memory_space<semaphore_mem>>) src(%dma_wait3A_18 : memref<400xi32, #tpu.memory_space<hbm>>) dst(%arg5 : memref<400xi32, #tpu.memory_space<vmem>>)
    %dma_start3A_19 = arith.constant 0 : i32
    %dma_start3A_20 = arith.constant 0 : i32
    %dma_start3A_21 = tpu.memref_slice %arg3[%dma_start3A_19, %dma_start3A_20] : memref<1000000x64xf32, #tpu.memory_space<hbm>> -> memref<1000000x64xf32, #tpu.memory_space<hbm>>
    tpu.enqueue_indirect_dma source(%dma_start3A_21 : memref<1000000x64xf32, #tpu.memory_space<hbm>>) target(%arg9 : memref<400x64xf32, #tpu.memory_space<vmem>>) offsets(%arg5 : memref<400xi32, #tpu.memory_space<vmem>>) semaphore(%arg17 : memref<!tpu.dma_semaphore, #tpu.memory_space<semaphore_mem>>)
    %dma_wait3A_22 = tpu.memref_slice %arg2[%mul3A_2] : memref<3276800xi32, #tpu.memory_space<hbm>> -> memref<400xi32, #tpu.memory_space<hbm>>
    %dma_wait3A_23 = tpu.memref_slice %arg2[%mul3A_2] : memref<3276800xi32, #tpu.memory_space<hbm>> -> memref<400xi32, #tpu.memory_space<hbm>>
    tpu.wait_dma2 semaphore(%arg14 : memref<!tpu.dma_semaphore, #tpu.memory_space<semaphore_mem>>) src(%dma_wait3A_23 : memref<400xi32, #tpu.memory_space<hbm>>) dst(%arg6 : memref<400xi32, #tpu.memory_space<vmem>>)
    %dma_start3A_24 = arith.constant 0 : i32
    %dma_start3A_25 = arith.constant 0 : i32
    %dma_start3A_26 = tpu.memref_slice %arg3[%dma_start3A_24, %dma_start3A_25] : memref<1000000x64xf32, #tpu.memory_space<hbm>> -> memref<1000000x64xf32, #tpu.memory_space<hbm>>
    tpu.enqueue_indirect_dma source(%dma_start3A_26 : memref<1000000x64xf32, #tpu.memory_space<hbm>>) target(%arg10 : memref<400x64xf32, #tpu.memory_space<vmem>>) offsets(%arg6 : memref<400xi32, #tpu.memory_space<vmem>>) semaphore(%arg18 : memref<!tpu.dma_semaphore, #tpu.memory_space<semaphore_mem>>)
    %dma_wait3A_27 = arith.constant 0 : i32
    %dma_wait3A_28 = arith.constant 0 : i32
    %dma_wait3A_29 = tpu.memref_slice %arg3[%dma_wait3A_27, %dma_wait3A_28] : memref<1000000x64xf32, #tpu.memory_space<hbm>> -> memref<1000000x64xf32, #tpu.memory_space<hbm>>
    tpu.wait_indirect_dma semaphore(%arg17 : memref<!tpu.dma_semaphore, #tpu.memory_space<semaphore_mem>>) src(%dma_wait3A_29 : memref<1000000x64xf32, #tpu.memory_space<hbm>>) dst(%arg9 : memref<400x64xf32, #tpu.memory_space<vmem>>)
    %add3A_30 = arith.constant 0 : i32
    %add3A_31 = arith.addi %mul3A_2, %add3A_30 : i32
    %dma_start3A_32 = arith.constant 0 : i32
    %dma_start3A_33 = tpu.memref_slice %arg4[%add3A_31, %dma_start3A_32] : memref<3276800x128xf32, #tpu.memory_space<hbm>> -> memref<400x64xf32, #tpu.memory_space<hbm>>
    %dma_start3A_34 = arith.constant 0 : i32
    %dma_start3A_35 = tpu.memref_slice %arg4[%add3A_31, %dma_start3A_34] : memref<3276800x128xf32, #tpu.memory_space<hbm>> -> memref<400x64xf32, #tpu.memory_space<hbm>>
    tpu.enqueue_dma source(%arg9 : memref<400x64xf32, #tpu.memory_space<vmem>>) target(%dma_start3A_35 : memref<400x64xf32, #tpu.memory_space<hbm>>) target_semaphore(%arg21 : memref<!tpu.dma_semaphore, #tpu.memory_space<semaphore_mem>>)
    %dma_wait3A_36 = tpu.memref_slice %arg2[%mul3A_2] : memref<3276800xi32, #tpu.memory_space<hbm>> -> memref<400xi32, #tpu.memory_space<hbm>>
    %dma_wait3A_37 = tpu.memref_slice %arg2[%mul3A_2] : memref<3276800xi32, #tpu.memory_space<hbm>> -> memref<400xi32, #tpu.memory_space<hbm>>
    tpu.wait_dma2 semaphore(%arg15 : memref<!tpu.dma_semaphore, #tpu.memory_space<semaphore_mem>>) src(%dma_wait3A_37 : memref<400xi32, #tpu.memory_space<hbm>>) dst(%arg7 : memref<400xi32, #tpu.memory_space<vmem>>)
    %dma_start3A_38 = arith.constant 0 : i32
    %dma_start3A_39 = arith.constant 0 : i32
    %dma_start3A_40 = tpu.memref_slice %arg3[%dma_start3A_38, %dma_start3A_39] : memref<1000000x64xf32, #tpu.memory_space<hbm>> -> memref<1000000x64xf32, #tpu.memory_space<hbm>>
    tpu.enqueue_indirect_dma source(%dma_start3A_40 : memref<1000000x64xf32, #tpu.memory_space<hbm>>) target(%arg11 : memref<400x64xf32, #tpu.memory_space<vmem>>) offsets(%arg7 : memref<400xi32, #tpu.memory_space<vmem>>) semaphore(%arg19 : memref<!tpu.dma_semaphore, #tpu.memory_space<semaphore_mem>>)
    %add3A_41 = arith.constant 1600 : i32
    %add3A_42 = arith.addi %mul3A_2, %add3A_41 : i32
    %dma_start3A_43 = tpu.memref_slice %arg2[%add3A_42] : memref<3276800xi32, #tpu.memory_space<hbm>> -> memref<400xi32, #tpu.memory_space<hbm>>
    %dma_start3A_44 = tpu.memref_slice %arg2[%add3A_42] : memref<3276800xi32, #tpu.memory_space<hbm>> -> memref<400xi32, #tpu.memory_space<hbm>>
    tpu.enqueue_dma source(%dma_start3A_44 : memref<400xi32, #tpu.memory_space<hbm>>) target(%arg5 : memref<400xi32, #tpu.memory_space<vmem>>) target_semaphore(%arg13 : memref<!tpu.dma_semaphore, #tpu.memory_space<semaphore_mem>>)
    %dma_wait3A_45 = arith.constant 0 : i32
    %dma_wait3A_46 = arith.constant 0 : i32
    %dma_wait3A_47 = tpu.memref_slice %arg3[%dma_wait3A_45, %dma_wait3A_46] : memref<1000000x64xf32, #tpu.memory_space<hbm>> -> memref<1000000x64xf32, #tpu.memory_space<hbm>>
    tpu.wait_indirect_dma semaphore(%arg18 : memref<!tpu.dma_semaphore, #tpu.memory_space<semaphore_mem>>) src(%dma_wait3A_47 : memref<1000000x64xf32, #tpu.memory_space<hbm>>) dst(%arg10 : memref<400x64xf32, #tpu.memory_space<vmem>>)
    %add3A_48 = arith.constant 400 : i32
    %add3A_49 = arith.addi %mul3A_2, %add3A_48 : i32
    %dma_start3A_50 = arith.constant 0 : i32
    %dma_start3A_51 = tpu.memref_slice %arg4[%add3A_49, %dma_start3A_50] : memref<3276800x128xf32, #tpu.memory_space<hbm>> -> memref<400x64xf32, #tpu.memory_space<hbm>>
    %dma_start3A_52 = arith.constant 0 : i32
    %dma_start3A_53 = tpu.memref_slice %arg4[%add3A_49, %dma_start3A_52] : memref<3276800x128xf32, #tpu.memory_space<hbm>> -> memref<400x64xf32, #tpu.memory_space<hbm>>
    tpu.enqueue_dma source(%arg10 : memref<400x64xf32, #tpu.memory_space<vmem>>) target(%dma_start3A_53 : memref<400x64xf32, #tpu.memory_space<hbm>>) target_semaphore(%arg22 : memref<!tpu.dma_semaphore, #tpu.memory_space<semaphore_mem>>)
    %dma_wait3A_54 = tpu.memref_slice %arg2[%mul3A_2] : memref<3276800xi32, #tpu.memory_space<hbm>> -> memref<400xi32, #tpu.memory_space<hbm>>
    %dma_wait3A_55 = tpu.memref_slice %arg2[%mul3A_2] : memref<3276800xi32, #tpu.memory_space<hbm>> -> memref<400xi32, #tpu.memory_space<hbm>>
    tpu.wait_dma2 semaphore(%arg16 : memref<!tpu.dma_semaphore, #tpu.memory_space<semaphore_mem>>) src(%dma_wait3A_55 : memref<400xi32, #tpu.memory_space<hbm>>) dst(%arg8 : memref<400xi32, #tpu.memory_space<vmem>>)
    %dma_start3A_56 = arith.constant 0 : i32
    %dma_start3A_57 = arith.constant 0 : i32
    %dma_start3A_58 = tpu.memref_slice %arg3[%dma_start3A_56, %dma_start3A_57] : memref<1000000x64xf32, #tpu.memory_space<hbm>> -> memref<1000000x64xf32, #tpu.memory_space<hbm>>
    tpu.enqueue_indirect_dma source(%dma_start3A_58 : memref<1000000x64xf32, #tpu.memory_space<hbm>>) target(%arg12 : memref<400x64xf32, #tpu.memory_space<vmem>>) offsets(%arg8 : memref<400xi32, #tpu.memory_space<vmem>>) semaphore(%arg20 : memref<!tpu.dma_semaphore, #tpu.memory_space<semaphore_mem>>)
    %add3A_59 = arith.constant 2000 : i32
    %add3A_60 = arith.addi %mul3A_2, %add3A_59 : i32
    %dma_start3A_61 = tpu.memref_slice %arg2[%add3A_60] : memref<3276800xi32, #tpu.memory_space<hbm>> -> memref<400xi32, #tpu.memory_space<hbm>>
    %dma_start3A_62 = tpu.memref_slice %arg2[%add3A_60] : memref<3276800xi32, #tpu.memory_space<hbm>> -> memref<400xi32, #tpu.memory_space<hbm>>
    tpu.enqueue_dma source(%dma_start3A_62 : memref<400xi32, #tpu.memory_space<hbm>>) target(%arg6 : memref<400xi32, #tpu.memory_space<vmem>>) target_semaphore(%arg14 : memref<!tpu.dma_semaphore, #tpu.memory_space<semaphore_mem>>)
    %dma_wait3A_63 = arith.constant 0 : i32
    %dma_wait3A_64 = arith.constant 0 : i32
    %dma_wait3A_65 = tpu.memref_slice %arg3[%dma_wait3A_63, %dma_wait3A_64] : memref<1000000x64xf32, #tpu.memory_space<hbm>> -> memref<1000000x64xf32, #tpu.memory_space<hbm>>
    tpu.wait_indirect_dma semaphore(%arg19 : memref<!tpu.dma_semaphore, #tpu.memory_space<semaphore_mem>>) src(%dma_wait3A_65 : memref<1000000x64xf32, #tpu.memory_space<hbm>>) dst(%arg11 : memref<400x64xf32, #tpu.memory_space<vmem>>)
    %add3A_66 = arith.constant 800 : i32
    %add3A_67 = arith.addi %mul3A_2, %add3A_66 : i32
    %dma_start3A_68 = arith.constant 0 : i32
    %dma_start3A_69 = tpu.memref_slice %arg4[%add3A_67, %dma_start3A_68] : memref<3276800x128xf32, #tpu.memory_space<hbm>> -> memref<400x64xf32, #tpu.memory_space<hbm>>
    %dma_start3A_70 = arith.constant 0 : i32
    %dma_start3A_71 = tpu.memref_slice %arg4[%add3A_67, %dma_start3A_70] : memref<3276800x128xf32, #tpu.memory_space<hbm>> -> memref<400x64xf32, #tpu.memory_space<hbm>>
    tpu.enqueue_dma source(%arg11 : memref<400x64xf32, #tpu.memory_space<vmem>>) target(%dma_start3A_71 : memref<400x64xf32, #tpu.memory_space<hbm>>) target_semaphore(%arg23 : memref<!tpu.dma_semaphore, #tpu.memory_space<semaphore_mem>>)
    %dma_wait3A_72 = tpu.memref_slice %arg2[%mul3A_2] : memref<3276800xi32, #tpu.memory_space<hbm>> -> memref<400xi32, #tpu.memory_space<hbm>>
    %dma_wait3A_73 = tpu.memref_slice %arg2[%mul3A_2] : memref<3276800xi32, #tpu.memory_space<hbm>> -> memref<400xi32, #tpu.memory_space<hbm>>
    tpu.wait_dma2 semaphore(%arg13 : memref<!tpu.dma_semaphore, #tpu.memory_space<semaphore_mem>>) src(%dma_wait3A_73 : memref<400xi32, #tpu.memory_space<hbm>>) dst(%arg5 : memref<400xi32, #tpu.memory_space<vmem>>)
    %dma_wait3A_74 = arith.constant 0 : i32
    %dma_wait3A_75 = tpu.memref_slice %arg4[%mul3A_2, %dma_wait3A_74] : memref<3276800x128xf32, #tpu.memory_space<hbm>> -> memref<400x64xf32, #tpu.memory_space<hbm>>
    %dma_wait3A_76 = arith.constant 0 : i32
    %dma_wait3A_77 = tpu.memref_slice %arg4[%mul3A_2, %dma_wait3A_76] : memref<3276800x128xf32, #tpu.memory_space<hbm>> -> memref<400x64xf32, #tpu.memory_space<hbm>>
    tpu.wait_dma2 semaphore(%arg21 : memref<!tpu.dma_semaphore, #tpu.memory_space<semaphore_mem>>) src(%arg9 : memref<400x64xf32, #tpu.memory_space<vmem>>) dst(%dma_wait3A_77 : memref<400x64xf32, #tpu.memory_space<hbm>>)
    %dma_start3A_78 = arith.constant 0 : i32
    %dma_start3A_79 = arith.constant 0 : i32
    %dma_start3A_80 = tpu.memref_slice %arg3[%dma_start3A_78, %dma_start3A_79] : memref<1000000x64xf32, #tpu.memory_space<hbm>> -> memref<1000000x64xf32, #tpu.memory_space<hbm>>
    tpu.enqueue_indirect_dma source(%dma_start3A_80 : memref<1000000x64xf32, #tpu.memory_space<hbm>>) target(%arg9 : memref<400x64xf32, #tpu.memory_space<vmem>>) offsets(%arg5 : memref<400xi32, #tpu.memory_space<vmem>>) semaphore(%arg17 : memref<!tpu.dma_semaphore, #tpu.memory_space<semaphore_mem>>)
    %add3A_81 = arith.constant 2400 : i32
    %add3A_82 = arith.addi %mul3A_2, %add3A_81 : i32
    %dma_start3A_83 = tpu.memref_slice %arg2[%add3A_82] : memref<3276800xi32, #tpu.memory_space<hbm>> -> memref<400xi32, #tpu.memory_space<hbm>>
    %dma_start3A_84 = tpu.memref_slice %arg2[%add3A_82] : memref<3276800xi32, #tpu.memory_space<hbm>> -> memref<400xi32, #tpu.memory_space<hbm>>
    tpu.enqueue_dma source(%dma_start3A_84 : memref<400xi32, #tpu.memory_space<hbm>>) target(%arg7 : memref<400xi32, #tpu.memory_space<vmem>>) target_semaphore(%arg15 : memref<!tpu.dma_semaphore, #tpu.memory_space<semaphore_mem>>)
    %dma_wait3A_85 = arith.constant 0 : i32
    %dma_wait3A_86 = arith.constant 0 : i32
    %dma_wait3A_87 = tpu.memref_slice %arg3[%dma_wait3A_85, %dma_wait3A_86] : memref<1000000x64xf32, #tpu.memory_space<hbm>> -> memref<1000000x64xf32, #tpu.memory_space<hbm>>
    tpu.wait_indirect_dma semaphore(%arg20 : memref<!tpu.dma_semaphore, #tpu.memory_space<semaphore_mem>>) src(%dma_wait3A_87 : memref<1000000x64xf32, #tpu.memory_space<hbm>>) dst(%arg12 : memref<400x64xf32, #tpu.memory_space<vmem>>)
    %add3A_88 = arith.constant 1200 : i32
    %add3A_89 = arith.addi %mul3A_2, %add3A_88 : i32
    %dma_start3A_90 = arith.constant 0 : i32
    %dma_start3A_91 = tpu.memref_slice %arg4[%add3A_89, %dma_start3A_90] : memref<3276800x128xf32, #tpu.memory_space<hbm>> -> memref<400x64xf32, #tpu.memory_space<hbm>>
    %dma_start3A_92 = arith.constant 0 : i32
    %dma_start3A_93 = tpu.memref_slice %arg4[%add3A_89, %dma_start3A_92] : memref<3276800x128xf32, #tpu.memory_space<hbm>> -> memref<400x64xf32, #tpu.memory_space<hbm>>
    tpu.enqueue_dma source(%arg12 : memref<400x64xf32, #tpu.memory_space<vmem>>) target(%dma_start3A_93 : memref<400x64xf32, #tpu.memory_space<hbm>>) target_semaphore(%arg24 : memref<!tpu.dma_semaphore, #tpu.memory_space<semaphore_mem>>)
    %dma_wait3A_94 = tpu.memref_slice %arg2[%mul3A_2] : memref<3276800xi32, #tpu.memory_space<hbm>> -> memref<400xi32, #tpu.memory_space<hbm>>
    %dma_wait3A_95 = tpu.memref_slice %arg2[%mul3A_2] : memref<3276800xi32, #tpu.memory_space<hbm>> -> memref<400xi32, #tpu.memory_space<hbm>>
    tpu.wait_dma2 semaphore(%arg14 : memref<!tpu.dma_semaphore, #tpu.memory_space<semaphore_mem>>) src(%dma_wait3A_95 : memref<400xi32, #tpu.memory_space<hbm>>) dst(%arg6 : memref<400xi32, #tpu.memory_space<vmem>>)
    %dma_wait3A_96 = arith.constant 0 : i32
    %dma_wait3A_97 = tpu.memref_slice %arg4[%mul3A_2, %dma_wait3A_96] : memref<3276800x128xf32, #tpu.memory_space<hbm>> -> memref<400x64xf32, #tpu.memory_space<hbm>>
    %dma_wait3A_98 = arith.constant 0 : i32
    %dma_wait3A_99 = tpu.memref_slice %arg4[%mul3A_2, %dma_wait3A_98] : memref<3276800x128xf32, #tpu.memory_space<hbm>> -> memref<400x64xf32, #tpu.memory_space<hbm>>
    tpu.wait_dma2 semaphore(%arg22 : memref<!tpu.dma_semaphore, #tpu.memory_space<semaphore_mem>>) src(%arg10 : memref<400x64xf32, #tpu.memory_space<vmem>>) dst(%dma_wait3A_99 : memref<400x64xf32, #tpu.memory_space<hbm>>)
    %dma_start3A_100 = arith.constant 0 : i32
    %dma_start3A_101 = arith.constant 0 : i32
    %dma_start3A_102 = tpu.memref_slice %arg3[%dma_start3A_100, %dma_start3A_101] : memref<1000000x64xf32, #tpu.memory_space<hbm>> -> memref<1000000x64xf32, #tpu.memory_space<hbm>>
    tpu.enqueue_indirect_dma source(%dma_start3A_102 : memref<1000000x64xf32, #tpu.memory_space<hbm>>) target(%arg10 : memref<400x64xf32, #tpu.memory_space<vmem>>) offsets(%arg6 : memref<400xi32, #tpu.memory_space<vmem>>) semaphore(%arg18 : memref<!tpu.dma_semaphore, #tpu.memory_space<semaphore_mem>>)
    %add3A_103 = arith.constant 2800 : i32
    %add3A_104 = arith.addi %mul3A_2, %add3A_103 : i32
    %dma_start3A_105 = tpu.memref_slice %arg2[%add3A_104] : memref<3276800xi32, #tpu.memory_space<hbm>> -> memref<400xi32, #tpu.memory_space<hbm>>
    %dma_start3A_106 = tpu.memref_slice %arg2[%add3A_104] : memref<3276800xi32, #tpu.memory_space<hbm>> -> memref<400xi32, #tpu.memory_space<hbm>>
    tpu.enqueue_dma source(%dma_start3A_106 : memref<400xi32, #tpu.memory_space<hbm>>) target(%arg8 : memref<400xi32, #tpu.memory_space<vmem>>) target_semaphore(%arg16 : memref<!tpu.dma_semaphore, #tpu.memory_space<semaphore_mem>>)
    %scan3A = arith.constant 0 : i32
    %scan3A_107 = arith.constant 1 : i32
    %scan3A_108 = arith.constant 63 : i32
    %scan3A_109 = arith.addi %scan3A_107, %scan3A_108 : i32
    %scan3A_110 = arith.constant 1 : i32
    scf.for %scan3A_130 = %scan3A_107 to %scan3A_109 step %scan3A_110  : i32 {
      %mul3A_131 = arith.constant 4 : i32
      %mul3A_132 = arith.muli %mul3A_131, %scan3A_130 : i32
      %add3A_133 = arith.constant 0 : i32
      %add3A_134 = arith.addi %mul3A_132, %add3A_133 : i32
      %dma_wait3A_135 = arith.constant 0 : i32
      %dma_wait3A_136 = arith.constant 0 : i32
      %dma_wait3A_137 = tpu.memref_slice %arg3[%dma_wait3A_135, %dma_wait3A_136] : memref<1000000x64xf32, #tpu.memory_space<hbm>> -> memref<1000000x64xf32, #tpu.memory_space<hbm>>
      tpu.wait_indirect_dma semaphore(%arg17 : memref<!tpu.dma_semaphore, #tpu.memory_space<semaphore_mem>>) src(%dma_wait3A_137 : memref<1000000x64xf32, #tpu.memory_space<hbm>>) dst(%arg9 : memref<400x64xf32, #tpu.memory_space<vmem>>)
      %mul3A_138 = arith.constant 400 : i32
      %mul3A_139 = arith.muli %add3A_134, %mul3A_138 : i32
      %add3A_140 = arith.addi %mul3A_2, %mul3A_139 : i32
      %dma_start3A_141 = arith.constant 0 : i32
      %dma_start3A_142 = tpu.memref_slice %arg4[%add3A_140, %dma_start3A_141] : memref<3276800x128xf32, #tpu.memory_space<hbm>> -> memref<400x64xf32, #tpu.memory_space<hbm>>
      %dma_start3A_143 = arith.constant 0 : i32
      %dma_start3A_144 = tpu.memref_slice %arg4[%add3A_140, %dma_start3A_143] : memref<3276800x128xf32, #tpu.memory_space<hbm>> -> memref<400x64xf32, #tpu.memory_space<hbm>>
      tpu.enqueue_dma source(%arg9 : memref<400x64xf32, #tpu.memory_space<vmem>>) target(%dma_start3A_144 : memref<400x64xf32, #tpu.memory_space<hbm>>) target_semaphore(%arg21 : memref<!tpu.dma_semaphore, #tpu.memory_space<semaphore_mem>>)
      %dma_wait3A_145 = tpu.memref_slice %arg2[%mul3A_2] : memref<3276800xi32, #tpu.memory_space<hbm>> -> memref<400xi32, #tpu.memory_space<hbm>>
      %dma_wait3A_146 = tpu.memref_slice %arg2[%mul3A_2] : memref<3276800xi32, #tpu.memory_space<hbm>> -> memref<400xi32, #tpu.memory_space<hbm>>
      tpu.wait_dma2 semaphore(%arg15 : memref<!tpu.dma_semaphore, #tpu.memory_space<semaphore_mem>>) src(%dma_wait3A_146 : memref<400xi32, #tpu.memory_space<hbm>>) dst(%arg7 : memref<400xi32, #tpu.memory_space<vmem>>)
      %dma_wait3A_147 = arith.constant 0 : i32
      %dma_wait3A_148 = tpu.memref_slice %arg4[%mul3A_2, %dma_wait3A_147] : memref<3276800x128xf32, #tpu.memory_space<hbm>> -> memref<400x64xf32, #tpu.memory_space<hbm>>
      %dma_wait3A_149 = arith.constant 0 : i32
      %dma_wait3A_150 = tpu.memref_slice %arg4[%mul3A_2, %dma_wait3A_149] : memref<3276800x128xf32, #tpu.memory_space<hbm>> -> memref<400x64xf32, #tpu.memory_space<hbm>>
      tpu.wait_dma2 semaphore(%arg23 : memref<!tpu.dma_semaphore, #tpu.memory_space<semaphore_mem>>) src(%arg11 : memref<400x64xf32, #tpu.memory_space<vmem>>) dst(%dma_wait3A_150 : memref<400x64xf32, #tpu.memory_space<hbm>>)
      %dma_start3A_151 = arith.constant 0 : i32
      %dma_start3A_152 = arith.constant 0 : i32
      %dma_start3A_153 = tpu.memref_slice %arg3[%dma_start3A_151, %dma_start3A_152] : memref<1000000x64xf32, #tpu.memory_space<hbm>> -> memref<1000000x64xf32, #tpu.memory_space<hbm>>
      tpu.enqueue_indirect_dma source(%dma_start3A_153 : memref<1000000x64xf32, #tpu.memory_space<hbm>>) target(%arg11 : memref<400x64xf32, #tpu.memory_space<vmem>>) offsets(%arg7 : memref<400xi32, #tpu.memory_space<vmem>>) semaphore(%arg19 : memref<!tpu.dma_semaphore, #tpu.memory_space<semaphore_mem>>)
      %add3A_154 = arith.constant 4 : i32
      %add3A_155 = arith.addi %add3A_134, %add3A_154 : i32
      %min3A = arith.constant 255 : i32
      %min3A_156 = arith.minsi %add3A_155, %min3A : i32
      %mul3A_157 = arith.constant 400 : i32
      %mul3A_158 = arith.muli %min3A_156, %mul3A_157 : i32
      %add3A_159 = arith.addi %mul3A_2, %mul3A_158 : i32
      %dma_start3A_160 = tpu.memref_slice %arg2[%add3A_159] : memref<3276800xi32, #tpu.memory_space<hbm>> -> memref<400xi32, #tpu.memory_space<hbm>>
      %dma_start3A_161 = tpu.memref_slice %arg2[%add3A_159] : memref<3276800xi32, #tpu.memory_space<hbm>> -> memref<400xi32, #tpu.memory_space<hbm>>
      tpu.enqueue_dma source(%dma_start3A_161 : memref<400xi32, #tpu.memory_space<hbm>>) target(%arg5 : memref<400xi32, #tpu.memory_space<vmem>>) target_semaphore(%arg13 : memref<!tpu.dma_semaphore, #tpu.memory_space<semaphore_mem>>)
      %mul3A_162 = arith.constant 4 : i32
      %mul3A_163 = arith.muli %mul3A_162, %scan3A_130 : i32
      %add3A_164 = arith.constant 1 : i32
      %add3A_165 = arith.addi %mul3A_163, %add3A_164 : i32
      %dma_wait3A_166 = arith.constant 0 : i32
      %dma_wait3A_167 = arith.constant 0 : i32
      %dma_wait3A_168 = tpu.memref_slice %arg3[%dma_wait3A_166, %dma_wait3A_167] : memref<1000000x64xf32, #tpu.memory_space<hbm>> -> memref<1000000x64xf32, #tpu.memory_space<hbm>>
      tpu.wait_indirect_dma semaphore(%arg18 : memref<!tpu.dma_semaphore, #tpu.memory_space<semaphore_mem>>) src(%dma_wait3A_168 : memref<1000000x64xf32, #tpu.memory_space<hbm>>) dst(%arg10 : memref<400x64xf32, #tpu.memory_space<vmem>>)
      %mul3A_169 = arith.constant 400 : i32
      %mul3A_170 = arith.muli %add3A_165, %mul3A_169 : i32
      %add3A_171 = arith.addi %mul3A_2, %mul3A_170 : i32
      %dma_start3A_172 = arith.constant 0 : i32
      %dma_start3A_173 = tpu.memref_slice %arg4[%add3A_171, %dma_start3A_172] : memref<3276800x128xf32, #tpu.memory_space<hbm>> -> memref<400x64xf32, #tpu.memory_space<hbm>>
      %dma_start3A_174 = arith.constant 0 : i32
      %dma_start3A_175 = tpu.memref_slice %arg4[%add3A_171, %dma_start3A_174] : memref<3276800x128xf32, #tpu.memory_space<hbm>> -> memref<400x64xf32, #tpu.memory_space<hbm>>
      tpu.enqueue_dma source(%arg10 : memref<400x64xf32, #tpu.memory_space<vmem>>) target(%dma_start3A_175 : memref<400x64xf32, #tpu.memory_space<hbm>>) target_semaphore(%arg22 : memref<!tpu.dma_semaphore, #tpu.memory_space<semaphore_mem>>)
      %dma_wait3A_176 = tpu.memref_slice %arg2[%mul3A_2] : memref<3276800xi32, #tpu.memory_space<hbm>> -> memref<400xi32, #tpu.memory_space<hbm>>
      %dma_wait3A_177 = tpu.memref_slice %arg2[%mul3A_2] : memref<3276800xi32, #tpu.memory_space<hbm>> -> memref<400xi32, #tpu.memory_space<hbm>>
      tpu.wait_dma2 semaphore(%arg16 : memref<!tpu.dma_semaphore, #tpu.memory_space<semaphore_mem>>) src(%dma_wait3A_177 : memref<400xi32, #tpu.memory_space<hbm>>) dst(%arg8 : memref<400xi32, #tpu.memory_space<vmem>>)
      %dma_wait3A_178 = arith.constant 0 : i32
      %dma_wait3A_179 = tpu.memref_slice %arg4[%mul3A_2, %dma_wait3A_178] : memref<3276800x128xf32, #tpu.memory_space<hbm>> -> memref<400x64xf32, #tpu.memory_space<hbm>>
      %dma_wait3A_180 = arith.constant 0 : i32
      %dma_wait3A_181 = tpu.memref_slice %arg4[%mul3A_2, %dma_wait3A_180] : memref<3276800x128xf32, #tpu.memory_space<hbm>> -> memref<400x64xf32, #tpu.memory_space<hbm>>
      tpu.wait_dma2 semaphore(%arg24 : memref<!tpu.dma_semaphore, #tpu.memory_space<semaphore_mem>>) src(%arg12 : memref<400x64xf32, #tpu.memory_space<vmem>>) dst(%dma_wait3A_181 : memref<400x64xf32, #tpu.memory_space<hbm>>)
      %dma_start3A_182 = arith.constant 0 : i32
      %dma_start3A_183 = arith.constant 0 : i32
      %dma_start3A_184 = tpu.memref_slice %arg3[%dma_start3A_182, %dma_start3A_183] : memref<1000000x64xf32, #tpu.memory_space<hbm>> -> memref<1000000x64xf32, #tpu.memory_space<hbm>>
      tpu.enqueue_indirect_dma source(%dma_start3A_184 : memref<1000000x64xf32, #tpu.memory_space<hbm>>) target(%arg12 : memref<400x64xf32, #tpu.memory_space<vmem>>) offsets(%arg8 : memref<400xi32, #tpu.memory_space<vmem>>) semaphore(%arg20 : memref<!tpu.dma_semaphore, #tpu.memory_space<semaphore_mem>>)
      %add3A_185 = arith.constant 4 : i32
      %add3A_186 = arith.addi %add3A_165, %add3A_185 : i32
      %min3A_187 = arith.constant 255 : i32
      %min3A_188 = arith.minsi %add3A_186, %min3A_187 : i32
      %mul3A_189 = arith.constant 400 : i32
      %mul3A_190 = arith.muli %min3A_188, %mul3A_189 : i32
      %add3A_191 = arith.addi %mul3A_2, %mul3A_190 : i32
      %dma_start3A_192 = tpu.memref_slice %arg2[%add3A_191] : memref<3276800xi32, #tpu.memory_space<hbm>> -> memref<400xi32, #tpu.memory_space<hbm>>
      %dma_start3A_193 = tpu.memref_slice %arg2[%add3A_191] : memref<3276800xi32, #tpu.memory_space<hbm>> -> memref<400xi32, #tpu.memory_space<hbm>>
      tpu.enqueue_dma source(%dma_start3A_193 : memref<400xi32, #tpu.memory_space<hbm>>) target(%arg6 : memref<400xi32, #tpu.memory_space<vmem>>) target_semaphore(%arg14 : memref<!tpu.dma_semaphore, #tpu.memory_space<semaphore_mem>>)
      %mul3A_194 = arith.constant 4 : i32
      %mul3A_195 = arith.muli %mul3A_194, %scan3A_130 : i32
      %add3A_196 = arith.constant 2 : i32
      %add3A_197 = arith.addi %mul3A_195, %add3A_196 : i32
      %dma_wait3A_198 = arith.constant 0 : i32
      %dma_wait3A_199 = arith.constant 0 : i32
      %dma_wait3A_200 = tpu.memref_slice %arg3[%dma_wait3A_198, %dma_wait3A_199] : memref<1000000x64xf32, #tpu.memory_space<hbm>> -> memref<1000000x64xf32, #tpu.memory_space<hbm>>
      tpu.wait_indirect_dma semaphore(%arg19 : memref<!tpu.dma_semaphore, #tpu.memory_space<semaphore_mem>>) src(%dma_wait3A_200 : memref<1000000x64xf32, #tpu.memory_space<hbm>>) dst(%arg11 : memref<400x64xf32, #tpu.memory_space<vmem>>)
      %mul3A_201 = arith.constant 400 : i32
      %mul3A_202 = arith.muli %add3A_197, %mul3A_201 : i32
      %add3A_203 = arith.addi %mul3A_2, %mul3A_202 : i32
      %dma_start3A_204 = arith.constant 0 : i32
      %dma_start3A_205 = tpu.memref_slice %arg4[%add3A_203, %dma_start3A_204] : memref<3276800x128xf32, #tpu.memory_space<hbm>> -> memref<400x64xf32, #tpu.memory_space<hbm>>
      %dma_start3A_206 = arith.constant 0 : i32
      %dma_start3A_207 = tpu.memref_slice %arg4[%add3A_203, %dma_start3A_206] : memref<3276800x128xf32, #tpu.memory_space<hbm>> -> memref<400x64xf32, #tpu.memory_space<hbm>>
      tpu.enqueue_dma source(%arg11 : memref<400x64xf32, #tpu.memory_space<vmem>>) target(%dma_start3A_207 : memref<400x64xf32, #tpu.memory_space<hbm>>) target_semaphore(%arg23 : memref<!tpu.dma_semaphore, #tpu.memory_space<semaphore_mem>>)
      %dma_wait3A_208 = tpu.memref_slice %arg2[%mul3A_2] : memref<3276800xi32, #tpu.memory_space<hbm>> -> memref<400xi32, #tpu.memory_space<hbm>>
      %dma_wait3A_209 = tpu.memref_slice %arg2[%mul3A_2] : memref<3276800xi32, #tpu.memory_space<hbm>> -> memref<400xi32, #tpu.memory_space<hbm>>
      tpu.wait_dma2 semaphore(%arg13 : memref<!tpu.dma_semaphore, #tpu.memory_space<semaphore_mem>>) src(%dma_wait3A_209 : memref<400xi32, #tpu.memory_space<hbm>>) dst(%arg5 : memref<400xi32, #tpu.memory_space<vmem>>)
      %dma_wait3A_210 = arith.constant 0 : i32
      %dma_wait3A_211 = tpu.memref_slice %arg4[%mul3A_2, %dma_wait3A_210] : memref<3276800x128xf32, #tpu.memory_space<hbm>> -> memref<400x64xf32, #tpu.memory_space<hbm>>
      %dma_wait3A_212 = arith.constant 0 : i32
      %dma_wait3A_213 = tpu.memref_slice %arg4[%mul3A_2, %dma_wait3A_212] : memref<3276800x128xf32, #tpu.memory_space<hbm>> -> memref<400x64xf32, #tpu.memory_space<hbm>>
      tpu.wait_dma2 semaphore(%arg21 : memref<!tpu.dma_semaphore, #tpu.memory_space<semaphore_mem>>) src(%arg9 : memref<400x64xf32, #tpu.memory_space<vmem>>) dst(%dma_wait3A_213 : memref<400x64xf32, #tpu.memory_space<hbm>>)
      %dma_start3A_214 = arith.constant 0 : i32
      %dma_start3A_215 = arith.constant 0 : i32
      %dma_start3A_216 = tpu.memref_slice %arg3[%dma_start3A_214, %dma_start3A_215] : memref<1000000x64xf32, #tpu.memory_space<hbm>> -> memref<1000000x64xf32, #tpu.memory_space<hbm>>
      tpu.enqueue_indirect_dma source(%dma_start3A_216 : memref<1000000x64xf32, #tpu.memory_space<hbm>>) target(%arg9 : memref<400x64xf32, #tpu.memory_space<vmem>>) offsets(%arg5 : memref<400xi32, #tpu.memory_space<vmem>>) semaphore(%arg17 : memref<!tpu.dma_semaphore, #tpu.memory_space<semaphore_mem>>)
      %add3A_217 = arith.constant 4 : i32
      %add3A_218 = arith.addi %add3A_197, %add3A_217 : i32
      %min3A_219 = arith.constant 255 : i32
      %min3A_220 = arith.minsi %add3A_218, %min3A_219 : i32
      %mul3A_221 = arith.constant 400 : i32
      %mul3A_222 = arith.muli %min3A_220, %mul3A_221 : i32
      %add3A_223 = arith.addi %mul3A_2, %mul3A_222 : i32
      %dma_start3A_224 = tpu.memref_slice %arg2[%add3A_223] : memref<3276800xi32, #tpu.memory_space<hbm>> -> memref<400xi32, #tpu.memory_space<hbm>>
      %dma_start3A_225 = tpu.memref_slice %arg2[%add3A_223] : memref<3276800xi32, #tpu.memory_space<hbm>> -> memref<400xi32, #tpu.memory_space<hbm>>
      tpu.enqueue_dma source(%dma_start3A_225 : memref<400xi32, #tpu.memory_space<hbm>>) target(%arg7 : memref<400xi32, #tpu.memory_space<vmem>>) target_semaphore(%arg15 : memref<!tpu.dma_semaphore, #tpu.memory_space<semaphore_mem>>)
      %mul3A_226 = arith.constant 4 : i32
      %mul3A_227 = arith.muli %mul3A_226, %scan3A_130 : i32
      %add3A_228 = arith.constant 3 : i32
      %add3A_229 = arith.addi %mul3A_227, %add3A_228 : i32
      %dma_wait3A_230 = arith.constant 0 : i32
      %dma_wait3A_231 = arith.constant 0 : i32
      %dma_wait3A_232 = tpu.memref_slice %arg3[%dma_wait3A_230, %dma_wait3A_231] : memref<1000000x64xf32, #tpu.memory_space<hbm>> -> memref<1000000x64xf32, #tpu.memory_space<hbm>>
      tpu.wait_indirect_dma semaphore(%arg20 : memref<!tpu.dma_semaphore, #tpu.memory_space<semaphore_mem>>) src(%dma_wait3A_232 : memref<1000000x64xf32, #tpu.memory_space<hbm>>) dst(%arg12 : memref<400x64xf32, #tpu.memory_space<vmem>>)
      %mul3A_233 = arith.constant 400 : i32
      %mul3A_234 = arith.muli %add3A_229, %mul3A_233 : i32
      %add3A_235 = arith.addi %mul3A_2, %mul3A_234 : i32
      %dma_start3A_236 = arith.constant 0 : i32
      %dma_start3A_237 = tpu.memref_slice %arg4[%add3A_235, %dma_start3A_236] : memref<3276800x128xf32, #tpu.memory_space<hbm>> -> memref<400x64xf32, #tpu.memory_space<hbm>>
      %dma_start3A_238 = arith.constant 0 : i32
      %dma_start3A_239 = tpu.memref_slice %arg4[%add3A_235, %dma_start3A_238] : memref<3276800x128xf32, #tpu.memory_space<hbm>> -> memref<400x64xf32, #tpu.memory_space<hbm>>
      tpu.enqueue_dma source(%arg12 : memref<400x64xf32, #tpu.memory_space<vmem>>) target(%dma_start3A_239 : memref<400x64xf32, #tpu.memory_space<hbm>>) target_semaphore(%arg24 : memref<!tpu.dma_semaphore, #tpu.memory_space<semaphore_mem>>)
      %dma_wait3A_240 = tpu.memref_slice %arg2[%mul3A_2] : memref<3276800xi32, #tpu.memory_space<hbm>> -> memref<400xi32, #tpu.memory_space<hbm>>
      %dma_wait3A_241 = tpu.memref_slice %arg2[%mul3A_2] : memref<3276800xi32, #tpu.memory_space<hbm>> -> memref<400xi32, #tpu.memory_space<hbm>>
      tpu.wait_dma2 semaphore(%arg14 : memref<!tpu.dma_semaphore, #tpu.memory_space<semaphore_mem>>) src(%dma_wait3A_241 : memref<400xi32, #tpu.memory_space<hbm>>) dst(%arg6 : memref<400xi32, #tpu.memory_space<vmem>>)
      %dma_wait3A_242 = arith.constant 0 : i32
      %dma_wait3A_243 = tpu.memref_slice %arg4[%mul3A_2, %dma_wait3A_242] : memref<3276800x128xf32, #tpu.memory_space<hbm>> -> memref<400x64xf32, #tpu.memory_space<hbm>>
      %dma_wait3A_244 = arith.constant 0 : i32
      %dma_wait3A_245 = tpu.memref_slice %arg4[%mul3A_2, %dma_wait3A_244] : memref<3276800x128xf32, #tpu.memory_space<hbm>> -> memref<400x64xf32, #tpu.memory_space<hbm>>
      tpu.wait_dma2 semaphore(%arg22 : memref<!tpu.dma_semaphore, #tpu.memory_space<semaphore_mem>>) src(%arg10 : memref<400x64xf32, #tpu.memory_space<vmem>>) dst(%dma_wait3A_245 : memref<400x64xf32, #tpu.memory_space<hbm>>)
      %dma_start3A_246 = arith.constant 0 : i32
      %dma_start3A_247 = arith.constant 0 : i32
      %dma_start3A_248 = tpu.memref_slice %arg3[%dma_start3A_246, %dma_start3A_247] : memref<1000000x64xf32, #tpu.memory_space<hbm>> -> memref<1000000x64xf32, #tpu.memory_space<hbm>>
      tpu.enqueue_indirect_dma source(%dma_start3A_248 : memref<1000000x64xf32, #tpu.memory_space<hbm>>) target(%arg10 : memref<400x64xf32, #tpu.memory_space<vmem>>) offsets(%arg6 : memref<400xi32, #tpu.memory_space<vmem>>) semaphore(%arg18 : memref<!tpu.dma_semaphore, #tpu.memory_space<semaphore_mem>>)
      %add3A_249 = arith.constant 4 : i32
      %add3A_250 = arith.addi %add3A_229, %add3A_249 : i32
      %min3A_251 = arith.constant 255 : i32
      %min3A_252 = arith.minsi %add3A_250, %min3A_251 : i32
      %mul3A_253 = arith.constant 400 : i32
      %mul3A_254 = arith.muli %min3A_252, %mul3A_253 : i32
      %add3A_255 = arith.addi %mul3A_2, %mul3A_254 : i32
      %dma_start3A_256 = tpu.memref_slice %arg2[%add3A_255] : memref<3276800xi32, #tpu.memory_space<hbm>> -> memref<400xi32, #tpu.memory_space<hbm>>
      %dma_start3A_257 = tpu.memref_slice %arg2[%add3A_255] : memref<3276800xi32, #tpu.memory_space<hbm>> -> memref<400xi32, #tpu.memory_space<hbm>>
      tpu.enqueue_dma source(%dma_start3A_257 : memref<400xi32, #tpu.memory_space<hbm>>) target(%arg8 : memref<400xi32, #tpu.memory_space<vmem>>) target_semaphore(%arg16 : memref<!tpu.dma_semaphore, #tpu.memory_space<semaphore_mem>>)
    }
    %scan3A_111 = arith.constant 63 : i32
    %dma_wait3A_112 = arith.constant 0 : i32
    %dma_wait3A_113 = tpu.memref_slice %arg4[%mul3A_2, %dma_wait3A_112] : memref<3276800x128xf32, #tpu.memory_space<hbm>> -> memref<400x64xf32, #tpu.memory_space<hbm>>
    %dma_wait3A_114 = arith.constant 0 : i32
    %dma_wait3A_115 = tpu.memref_slice %arg4[%mul3A_2, %dma_wait3A_114] : memref<3276800x128xf32, #tpu.memory_space<hbm>> -> memref<400x64xf32, #tpu.memory_space<hbm>>
    tpu.wait_dma2 semaphore(%arg23 : memref<!tpu.dma_semaphore, #tpu.memory_space<semaphore_mem>>) src(%arg11 : memref<400x64xf32, #tpu.memory_space<vmem>>) dst(%dma_wait3A_115 : memref<400x64xf32, #tpu.memory_space<hbm>>)
    %dma_wait3A_116 = arith.constant 0 : i32
    %dma_wait3A_117 = tpu.memref_slice %arg4[%mul3A_2, %dma_wait3A_116] : memref<3276800x128xf32, #tpu.memory_space<hbm>> -> memref<400x64xf32, #tpu.memory_space<hbm>>
    %dma_wait3A_118 = arith.constant 0 : i32
    %dma_wait3A_119 = tpu.memref_slice %arg4[%mul3A_2, %dma_wait3A_118] : memref<3276800x128xf32, #tpu.memory_space<hbm>> -> memref<400x64xf32, #tpu.memory_space<hbm>>
    tpu.wait_dma2 semaphore(%arg24 : memref<!tpu.dma_semaphore, #tpu.memory_space<semaphore_mem>>) src(%arg12 : memref<400x64xf32, #tpu.memory_space<vmem>>) dst(%dma_wait3A_119 : memref<400x64xf32, #tpu.memory_space<hbm>>)
    %dma_wait3A_120 = arith.constant 0 : i32
    %dma_wait3A_121 = arith.constant 0 : i32
    %dma_wait3A_122 = tpu.memref_slice %arg3[%dma_wait3A_120, %dma_wait3A_121] : memref<1000000x64xf32, #tpu.memory_space<hbm>> -> memref<1000000x64xf32, #tpu.memory_space<hbm>>
    tpu.wait_indirect_dma semaphore(%arg17 : memref<!tpu.dma_semaphore, #tpu.memory_space<semaphore_mem>>) src(%dma_wait3A_122 : memref<1000000x64xf32, #tpu.memory_space<hbm>>) dst(%arg9 : memref<400x64xf32, #tpu.memory_space<vmem>>)
    %dma_wait3A_123 = arith.constant 0 : i32
    %dma_wait3A_124 = arith.constant 0 : i32
    %dma_wait3A_125 = tpu.memref_slice %arg3[%dma_wait3A_123, %dma_wait3A_124] : memref<1000000x64xf32, #tpu.memory_space<hbm>> -> memref<1000000x64xf32, #tpu.memory_space<hbm>>
    tpu.wait_indirect_dma semaphore(%arg18 : memref<!tpu.dma_semaphore, #tpu.memory_space<semaphore_mem>>) src(%dma_wait3A_125 : memref<1000000x64xf32, #tpu.memory_space<hbm>>) dst(%arg10 : memref<400x64xf32, #tpu.memory_space<vmem>>)
    %dma_wait3A_126 = tpu.memref_slice %arg2[%mul3A_2] : memref<3276800xi32, #tpu.memory_space<hbm>> -> memref<400xi32, #tpu.memory_space<hbm>>
    %dma_wait3A_127 = tpu.memref_slice %arg2[%mul3A_2] : memref<3276800xi32, #tpu.memory_space<hbm>> -> memref<400xi32, #tpu.memory_space<hbm>>
    tpu.wait_dma2 semaphore(%arg15 : memref<!tpu.dma_semaphore, #tpu.memory_space<semaphore_mem>>) src(%dma_wait3A_127 : memref<400xi32, #tpu.memory_space<hbm>>) dst(%arg7 : memref<400xi32, #tpu.memory_space<vmem>>)
    %dma_wait3A_128 = tpu.memref_slice %arg2[%mul3A_2] : memref<3276800xi32, #tpu.memory_space<hbm>> -> memref<400xi32, #tpu.memory_space<hbm>>
    %dma_wait3A_129 = tpu.memref_slice %arg2[%mul3A_2] : memref<3276800xi32, #tpu.memory_space<hbm>> -> memref<400xi32, #tpu.memory_space<hbm>>
    tpu.wait_dma2 semaphore(%arg16 : memref<!tpu.dma_semaphore, #tpu.memory_space<semaphore_mem>>) src(%dma_wait3A_129 : memref<400xi32, #tpu.memory_space<hbm>>) dst(%arg8 : memref<400xi32, #tpu.memory_space<vmem>>)
    return
  }
}

</mosaic_0001>

<sc_bundles>
// kernel: kernel.3.cloned.1.call-start
scs
__scs_entry_jumppad:
0x0: {  	(pc) =	sbr.rel $0x88, $3  }
0x1: {  	(tag) =	ssettag $0x0;
	lr =	simm.s32 $0x1  }
0x2: {  	[smem:$0x3F9F] =	sst lr;
	_ =	strace $0xD0000000  }
0x3: {  	_ = 	snop  }
0x4: {  	_ = 	snop  }
0x5: {  	_ = 	snop  }
0x6: {  	_ = 	snop  }
0x7: {  	_ = 	snop  }
__scs_overlays_trampoline_lowered:
0x8: {  	[smem:$0x3FAE] =	sst s0  }
0x9: {  	[smem:$0x3FAF] =	sst s1  }
0xa: {  	[smem:$0x3FB0] =	sst s2  }
0xb: {  	[smem:$0x3FB1] =	sst s3  }
0xc: {  	[smem:$0x3FB2] =	sst s4  }
0xd: {  	[smem:$0x3FB3] =	sst s5  }
0xe: {  	[smem:$0x3FB4] =	sst s6  }
0xf: {  	[smem:$0x3FB5] =	sst s7  }
0x10: {  	[smem:$0x3FB6] =	sst s8  }
0x11: {  	[smem:$0x3FB7] =	sst s9;
	s0 =	simm.s32 @!p0 $0x0  }
0x12: {  	s1 =	sld [smem:$0x3F9D];
	s0 =	simm.s32 @p0 $0x1  }
0x13: {  	[smem:$0x3FB8] =	sst s0;
	s0 =	simm.s32 @!p1 $0x0  }
0x14: {  	s2 =	sld [smem:$0x3F9C];
	s0 =	simm.s32 @p1 $0x1  }
0x15: {  	[smem:$0x3FB9] =	sst s0;
	s0 =	simm.s32 @!p2 $0x0  }
0x16: {  	s3 =	sld [smem:$0x3FDB];
	s0 =	simm.s32 @p2 $0x1  }
0x17: {  	s4 =	simm.s32 $0x1BF5;
	[smem:$0x3FBB] =	sst s0  }
0x18: {  	s0 =	sld [smem:$0x3F9E];
	_ =	swait.ge [sflag:s4], $0x0  }
0x19: {  	s7 =	sld [smem:$0x3F9F]  }
0x1a: {  	s8 =	sadd.s32 $0xFFFFE003, lr  }
0x1b: {  	s9 =	sadd.s32 $0xFFFFFEF7, lr;
	s5 =	simm.s32 $0xFFFFFFFF;
	p2 =	slt.u32 s8, $0xFFFFF086  }
0x1c: {  	p1 =	slt.u32 s9, $0xF7A;
	s5 =	simm.s32 @!p2 $0x0  }
0x1d: {  	s5 =	simm.s32 @p1 $0x1;
	p0 =	seq.s32 s7, s2  }
0x1e: {  	s7 =	smul.u32 @!p0 $0xF7A, s2;
	p2 =	seq.s32 @!p0 s5, $0x0  }
0x1f: {  	s9 =	smul.u32 $0xF7A, s1;
	s8 =	simm.s32 @!p0 $0x1BF5;
	p2 =	por !p2, p0  }
0x20: {  	[sflag:s8] =	ssyncset.s32 @!p0 $0xFFFFF086;
	s6 =	sadd.s32 @!p0 s3, s7;
	s7 =	simm.s32 @!p0 $0x108  }
0x21: {  	s3 =	sadd.s32 s3, s9;
	s6 =	sadd.s32 @!p0 $0x88, s6;
	s7 =	simm.s32 @p2 $0x1082  }
0x22: {  	[simem:s7], [sflag:s8] =	dma.local @!p0 [hbm:s6], $0xF7A  }
0x23: {  	s9 =	sor.u32 $0xD0000000, s2;
	s6 =	simm.s32 $0x108;
	_ =	swait.ge @!p0 [sflag:s8], $0x0  }
0x24: {  	s3 =	sadd.s32 $0x88, s3;
	s6 =	simm.s32 @!p1 $0x1082;
	[sflag:s4] =	ssyncset.s32 $0xFFFFF086  }
0x25: {  	[simem:s6], [sflag:s4] =	dma.local [hbm:s3], $0xF7A  }
0x26: {  	[smem:$0x3F9F] =	sst s1;
	(tag) =	ssettag s2;
	_ =	strace s9  }
0x27: {  	s1 =	sld [smem:$0x3FAF]  }
0x28: {  	s2 =	sld [smem:$0x3FB0]  }
0x29: {  	s4 =	sld [smem:$0x3FB2]  }
0x2a: {  	p0 =	seq.s32 s5, $0x0;
	s5 =	sld [smem:$0x3FB3]  }
0x2b: {  	s6 =	sld [smem:$0x3FB4]  }
0x2c: {  	s7 =	sld [smem:$0x3FB5]  }
0x2d: {  	s3 =	simm.s32 $0x108;
	s8 =	sld [smem:$0x3FB6]  }
0x2e: {  	s3 =	simm.s32 @!p0 $0x1082;
	s9 =	sld [smem:$0x3FB7]  }
0x2f: {  	lr =	sadd.s32 s0, s3;
	s0 =	sld [smem:$0x3FAE]  }
0x30: {  	s3 =	sld [smem:$0x3FB1]  }
0x31: {  	[smem:$0x3FBA] =	sst s10  }
0x32: {  	s10 =	sld [smem:$0x3FB8];
	_ =	sdelay $0x3  }
0x33: {  	p0 =	seq.s32 s10, $0x1;
	s10 =	sld [smem:$0x3FBA];
	_ =	sdelay $0x3  }
0x34: {  	[smem:$0x3FBA] =	sst s10  }
0x35: {  	s10 =	sld [smem:$0x3FB9];
	_ =	sdelay $0x3  }
0x36: {  	p1 =	seq.s32 s10, $0x1;
	s10 =	sld [smem:$0x3FBA];
	_ =	sdelay $0x3  }
0x37: {  	[smem:$0x3FBA] =	sst s10  }
0x38: {  	s10 =	sld [smem:$0x3FBB]  }
0x39: {  	_ = 	snop;
	(pc) =	sbr.ind lr, $3  }
0x3a: {  	_ = 	snop  }
0x3b: {  	_ = 	snop  }
0x3c: {  	p2 =	seq.s32 s10, $0x1;
	s10 =	sld [smem:$0x3FBA]  }
0x3d: {  	_ =	shalt  }
0x3e: {  	_ =	shalt  }
0x3f: {  	_ =	shalt  }
0x40: {  	_ =	shalt  }
0x41: {  	_ =	shalt  }
0x42: {  	_ =	shalt  }
0x43: {  	_ =	shalt  }
0x44: {  	_ =	shalt  }
0x45: {  	_ =	shalt  }
0x46: {  	_ =	shalt  }
0x47: {  	_ =	shalt  }
0x48: {  	_ =	shalt  }
0x49: {  	_ =	shalt  }
0x4a: {  	_ =	shalt  }
0x4b: {  	_ =	shalt  }
0x4c: {  	_ =	shalt  }
0x4d: {  	_ =	shalt  }
0x4e: {  	_ =	shalt  }
0x4f: {  	_ =	shalt  }
0x50: {  	_ =	shalt  }
0x51: {  	_ =	shalt  }
0x52: {  	_ =	shalt  }
0x53: {  	_ =	shalt  }
0x54: {  	_ =	shalt  }
0x55: {  	_ =	shalt  }
0x56: {  	_ =	shalt  }
0x57: {  	_ =	shalt  }
0x58: {  	_ =	shalt  }
0x59: {  	_ =	shalt  }
0x5a: {  	_ =	shalt  }
0x5b: {  	_ =	shalt  }
0x5c: {  	_ =	shalt  }
0x5d: {  	_ =	shalt  }
0x5e: {  	_ =	shalt  }
0x5f: {  	_ =	shalt  }
0x60: {  	_ =	shalt  }
0x61: {  	_ =	shalt  }
0x62: {  	_ =	shalt  }
0x63: {  	_ =	shalt  }
0x64: {  	_ =	shalt  }
0x65: {  	_ =	shalt  }
0x66: {  	_ =	shalt  }
0x67: {  	_ =	shalt  }
0x68: {  	_ =	shalt  }
0x69: {  	_ =	shalt  }
0x6a: {  	_ =	shalt  }
0x6b: {  	_ =	shalt  }
0x6c: {  	_ =	shalt  }
0x6d: {  	_ =	shalt  }
0x6e: {  	_ =	shalt  }
0x6f: {  	_ =	shalt  }
0x70: {  	_ =	shalt  }
0x71: {  	_ =	shalt  }
0x72: {  	_ =	shalt  }
0x73: {  	_ =	shalt  }
0x74: {  	_ =	shalt  }
0x75: {  	_ =	shalt  }
0x76: {  	_ =	shalt  }
0x77: {  	_ =	shalt  }
0x78: {  	_ =	shalt  }
0x79: {  	_ =	shalt  }
0x7a: {  	_ =	shalt  }
0x7b: {  	_ =	shalt  }
0x7c: {  	_ =	shalt  }
0x7d: {  	_ =	shalt  }
0x7e: {  	_ =	shalt  }
0x7f: {  	_ =	shalt  }
0x80: {  	_ =	shalt  }
0x81: {  	_ =	shalt  }
0x82: {  	_ =	shalt  }
0x83: {  	_ =	shalt  }
0x84: {  	_ =	shalt  }
0x85: {  	_ =	shalt  }
0x86: {  	_ =	shalt  }
0x87: {  	_ =	shalt  }
.Lfunc_end0:
.L_simem_size_0:
called_computation.1_lowered:
.L_overlay_start_0:
0x88: {  	s2 =	sld [smem:$0x3FD9]  }
0x89: {  	s3 =	sld [smem:$0x3FFE];
	_ =	sdelay $0x1  }
0x8a: {  	s1 =	srdreg.scid  }
0x8b: {  	s0 =	sand.u32 $0x1, s1  }
0x8c: {  	s16 =	sshll.u32 s0, $0xA;
	s2 =	sadd.s32 s3, s2  }
0x8d: {  	s2 =	sadd.s32 s2, s16  }
0x8e: {  	[smem:$0x3FC6] =	sst s2  }
0x8f: {  	_ = 	snop  }
0x90: {  	(tm) =	ssettm $0x1  }
0x91: {  	s17 =	sld [smem:$0x3FFB];
	_ =	sdelay $0x3  }
0x92: {  	_ =	strace s17  }
0x93: {  	s2 =	sld [smem:$0x3FFC];
	_ =	sdelay $0x3  }
0x94: {  	_ =	strace s2  }
0x95: {  	s2 =	sld [smem:$0x3FFD];
	_ =	sdelay $0x3  }
0x96: {  	_ =	strace s2  }
0x97: {  	_ =	strace $0x8FFFFFFF  }
0x98: {  	s18 =	sld [smem:$0x3FDB];
	_ =	sdelay $0x1  }
0x99: {  	s19 =	simm.s32 $_scs_section_size  }
0x9a: {  	s4 =	simm.s32 $_size__tile_overlayer_lowered;
	s5 =	simm.s32 $_tile_overlayer_lowered  }
0x9b: {  	s22 =	simm.s32 $0x1BFF;
	s21 =	sshll.u32 s5, $0x1;
	s2 =	sadd.s32 s19, s18  }
0x9c: {  	s6 =	simm.s32 $0x0;
	s20 =	sshll.u32 s4, $0x1;
	s4 =	sadd.s32 s21, s2  }
0x9d: {  	[timem:s6], [sflag:s22] =	dma.local [hbm:s4], s20  }
0x9e: {  	_ =	swait.ge [sflag:s22], s20  }
0x9f: {  	s3 =	ssub.s32 $0x0, s20;
	[sflag:s22] =	ssyncset.done $0x0  }
0xa0: {  	[sflag:s22] =	ssyncadd.s32 s3;
	_ =	sdelay $0x1  }
0xa1: {  	s23 =	simm.s32 $0x1B8B  }
0xa2: {  	_ =	swait.ge [sflag:s23], $0x1  }
0xa3: {  	[sflag:s23] =	ssyncset.done $0x0  }
0xa4: {  	s25 =	simm.s32 $0x1B8E;
	s24 =	sld [smem:$0x3FFE];
	[sflag:s23] =	ssyncadd.s32 $0xFFFFFFFF  }
0xa5: {  	s26 =	simm.s32 $execute0_lowered;
	[smem:$0x3FD2] =	sst s25  }
0xa6: {  	s4 =	sshll.u32 s26, $0x1;
	_ =	strace $0x80000046;
	[dreg:$0x1] =	wrdreg $0xFFFFFFFF  }
0xa7: {  	s28 =	simm.s32 $_size_execute0_lowered;
	s2 =	sadd.s32 s2, s4;
	[dreg:$0x0] =	wrdreg $0x0  }
0xa8: {  	s4 =	sshll.u32 s28, $0x1;
	[dreg:$0x2] =	wrdreg s2  }
0xa9: {  	[dreg:$0x3] =	wrdreg s4  }
0xaa: {  	[dreg:$0x4] =	wrdreg $0xC0  }
0xab: {  	_ =	task [dreg:s6], $0x5FFFF  }
0xac: {  	[dreg:$0x1] =	wrdreg $0xFFFFFFFF  }
0xad: {  	[dreg:$0x0] =	wrdreg $0x60  }
0xae: {  	[dreg:$0x2] =	wrdreg s24  }
0xaf: {  	[dreg:$0x3] =	wrdreg $0x9  }
0xb0: {  	_ =	task.clear_ibuf [dreg:s6], $0x4FFFF;
	_ =	strace $0x90000046  }
0xb1: {  	s29 =	simm.s32 $0x9;
	_ =	strace $0x80000048  }
0xb2: {  	_ =	swait.ge [sflag:s29], $0x1  }
0xb3: {  	[sflag:s29] =	ssyncadd.s32 $0xFFFFFFFF  }
0xb4: {  	_ =	strace $0x90000048  }
0xb5: {  	_ =	sfence  }
0xb6: {  	s30 =	sld [smem:$0x0];
	_ =	sdelay $0x2  }
0xb7: {  	s31 =	sshll.u32 s1, $0xD;
	s1 =	sshrl.u32 s1, $0x2  }
0xb8: {  	s3 =	sand.u32 $0x4000, s31;
	s1 =	sadd.s32 s1, s30  }
0xb9: {  	s0 =	sor.u32 s3, s0;
	s1 =	sshll.u32 s1, $0x11  }
0xba: {  	s0 =	sor.u32 s1, s0  }
0xbb: {  	s0 =	sadd.s32 $0x8F2B, s0  }
0xbc: {  	[sflag:s0] =	ssyncadd.remote.s32 $0x1  }
0xbd: {  	_ =	sfence.sel $0xFFFF  }
0xbe: {  	[dreg:$0x0] =	wrdreg $0xFFFFFFFF;
	(pc) =	sbr.abs _section_cstart, $3  }
0xbf: {  	[dreg:$0x1] =	wrdreg $0xFFFFFFFF  }
0xc0: {  	_ =	task.clear_ibuf [dreg:s6], $0x2FFFF;
	_ =	strace $0x9FFFFFFF  }
0xc1: {  	(tm) =	ssettm $0x7FFFFFFF  }
tec
execute0_lowered:
.L_overlay_start_1:
0x0: {  	(tag) =	ssettag $0x1  }
0x1: {  	s0 =	rddreg [dreg:$0x0]  }
0x2: {  	s1 =	srdreg.scid;
	s14 =	stileid.u32;
	s2 =	simm.s32 $0x0  }
0x3: {  	s29 =	simm.s32 $0x1;
	s31 =	simm.s32 $0x40;
	s28 =	simm.s32 $0x13240  }
0x4: {  	s30 =	simm.s32 $0x2;
	s1 =	sand.u32 $0x1, s1;
	s3 =	sshll.u32 s14, $0x1  }
0x5: {  	[smem:$0x7FF] =	sst s2;
	s4 =	sadd.s32 $0x64800, s0;
	s16 =	smul.u32 $0x32000, s14  }
0x6: {  	s14 =	simm.s32 $0x4;
	s5 =	sor.u32 s1, s3;
	_ =	strace $0x80000047  }
0x7: {  	s3 =	sadd.s32 $0x800, s0;
	s7 =	ssub.s32 $0x2, s1;
	s1 =	smul.u32 $0x19000, s1  }
0x8: {  	s0 =	sadd.s32 $0x805A00, s0;
	s6 =	smul.u32 $0x19000, s5;
	s8 =	sshrl.u32 s7, $0x1  }
0x9: {  	s5 =	smul.u32 $0x190000, s5;
	s7 =	ssub.s32 s7, s8;
	s1 =	sadd.s32 s1, s16  }
0xa: {  	s16 =	simm.s32 $0x320;
	s9 =	sshrl.u32 s6, $0x3;
	s22 =	sor.u32 $0x190, s6  }
0xb: {  	s10 =	sor.u32 $0x320, s6;
	s11 =	sor.u32 $0x4B0, s6;
	s5 =	sadd.s32 s0, s5  }
0xc: {  	s18 =	sor.u32 $0x640, s6;
	s19 =	sor.u32 $0x7D0, s6;
	[dreg:$0xa] =	wrdreg s5  }
0xd: {  	s20 =	sor.u32 $0x960, s6;
	s21 =	sor.u32 $0xAF0, s6;
	[dreg:$0x2] =	wrdreg s18  }
0xe: {  	s1 =	sshll.u32 s1, $0x4;
	s6 =	simm.s32 $0x640;
	[dreg:$0x3] =	wrdreg s19  }
0xf: {  	s15 =	sadd.s32 s3, s9;
	s23 =	sshrl.u32 s22, $0x3;
	[dreg:$0x4] =	wrdreg s20  }
0x10: {  	s12 =	sshrl.u32 s10, $0x3;
	s13 =	sshrl.u32 s11, $0x3;
	[dreg:$0x5] =	wrdreg s21  }
0x11: {  	s8 =	sshll.u32 s22, $0x4;
	s9 =	sadd.s32 s3, s23;
	[dreg:$0x6] =	wrdreg s15  }
0x12: {  	s17 =	sshll.u32 s11, $0x4;
	s24 =	sadd.s32 s3, s12;
	[dreg:$0x7] =	wrdreg s9  }
0x13: {  	s21 =	simm.s32 $0xCE40;
	s25 =	sadd.s32 s3, s13;
	[dreg:$0x8] =	wrdreg s24  }
0x14: {  	s11 =	simm.s32 $0x8;
	s26 =	sadd.s32 $0xC8, s15;
	[dreg:$0x9] =	wrdreg s25  }
0x15: {  	s5 =	sadd.s32 s0, s8;
	s12 =	sshll.u32 s10, $0x4;
	[dreg:$0xb] =	wrdreg s26  }
0x16: {  	s13 =	sadd.s32 $0x12C, s15;
	s8 =	sadd.s32 s0, s17;
	[dreg:$0xc] =	wrdreg s5  }
0x17: {  	s22 =	sadd.s32 $0x15E, s15;
	s23 =	smax.u32 s7, $0x1;
	[dreg:$0xf] =	wrdreg s13  }
0x18: {  	s7 =	simm.s32 $0x6;
	s10 =	simm.s32 $0x9;
	[dreg:$0x10] =	wrdreg s8  }
0x19: {  	s17 =	simm.s32 $0x0;
	s9 =	sadd.s32 $0xFA, s15;
	[dreg:$0x11] =	wrdreg s22  }
0x1a: {  	s5 =	sadd.s32 s0, s12;
	s0 =	sadd.s32 s1, s0;
	[dreg:$0x12] =	wrdreg s23  }
0x1b: {  	s22 =	simm.s32 $0x190;
	s8 =	simm.s32 $0x6A40;
	[dreg:$0xd] =	wrdreg s9  }
0x1c: {  	s1 =	simm.s32 $0x3;
	[dreg:$0xe] =	wrdreg s5;
	s24 =	sadd.s32 $0xAF00, s0  }
0x1d: {  	s12 =	simm.s32 $0xA;
	s25 =	sadd.s32 $0x9600, s0;
	[dreg:$0x13] =	wrdreg s24  }
0x1e: {  	s13 =	simm.s32 $0xB;
	s26 =	sadd.s32 $0x7D00, s0;
	[dreg:$0x14] =	wrdreg s25  }
0x1f: {  	s15 =	simm.s32 $0xC;
	s0 =	sadd.s32 $0x6400, s0;
	[dreg:$0x15] =	wrdreg s26  }
0x20: {  	s9 =	simm.s32 $0x7;
	[dreg:$0x16] =	wrdreg s0;
	s26 =	simm.s32 $0x2  }
0x21: {  	s0 =	simm.s32 $0x80;
	s25 =	simm.s32 $0x13240;
	s24 =	simm.s32 $0x320  }
.LBB2_1:
0x22: {  	[dreg:$0x17] =	wrdreg s17  }
0x23: {  	s5 =	rddreg [dreg:$0x6]  }
0x24: {  	[tilespmem:s2], [sflag:$0x1] =	stream.linear.gather [hbm4b:s5+s2], $0x190, $0x38;
	[tilespmem:$0x19640] =	vst v63  }
0x25: {  	s17 =	rddreg [dreg:$0x7]  }
0x26: {  	[tilespmem:s22], [sflag:$0x2] =	stream.linear.gather [hbm4b:s17+s2], $0x190, $0x38;
	[tilespmem:$0x19640] =	vst v63  }
0x27: {  	s18 =	rddreg [dreg:$0x8]  }
0x28: {  	[tilespmem:s16], [sflag:$0x3] =	stream.linear.gather [hbm4b:s18+s2], $0x190, $0x38;
	[tilespmem:$0x19640] =	vst v63  }
0x29: {  	s19 =	rddreg [dreg:$0x9];
	s18 =	simm.s32 $0x4B0  }
0x2a: {  	[tilespmem:s18], [sflag:$0x4] =	stream.linear.gather [hbm4b:s19+s2], $0x190, $0x38;
	[tilespmem:$0x19640] =	vst v63  }
0x2b: {  	_ =	swait.ge [sflag:s29], $0x190  }
0x2c: {  	[sflag:s29] =	ssyncset.done $0x0  }
0x2d: {  	[sflag:s29] =	ssyncadd.s32 $0xFFFFFE70  }
0x2e: {  	[tilespmem:s6], [sflag:$0x5] =	stream.indirect.gather [hbm4b:s4+s22], $0x40, s2, s22, $0xb8;
	[tilespmem:$0x19640] =	vst v63  }
0x2f: {  	_ =	swait.ge [sflag:s26], $0x190  }
0x30: {  	[sflag:s26] =	ssyncset.done $0x0  }
0x31: {  	s17 =	simm.s32 $0x5;
	[sflag:s26] =	ssyncadd.s32 $0xFFFFFE70  }
0x32: {  	[tilespmem:s8], [sflag:$0x6] =	stream.indirect.gather [hbm4b:s4+s22], $0x40, s22, s22, $0xb8;
	[tilespmem:$0x19640] =	vst v63  }
0x33: {  	_ =	swait.ge [sflag:s17], $0x6400  }
0x34: {  	[sflag:s17] =	ssyncset.done $0x0  }
0x35: {  	s20 =	rddreg [dreg:$0xa];
	[sflag:s17] =	ssyncadd.s32 $0xFFFF9C00  }
0x36: {  	[hbm4b:s20+s31] =	stream.strided.scatter [tilespmem:s6], [sflag:$0x9], $0x6400, s0, s31, $0x38;
	[tilespmem:$0x19640] =	vst v63  }
0x37: {  	_ =	swait.ge [sflag:s1], $0x190  }
0x38: {  	[sflag:s1] =	ssyncset.done $0x0  }
0x39: {  	[sflag:s1] =	ssyncadd.s32 $0xFFFFFE70  }
0x3a: {  	[tilespmem:s21], [sflag:$0x7] =	stream.indirect.gather [hbm4b:s4+s22], $0x40, s16, s22, $0xb8;
	[tilespmem:$0x19640] =	vst v63  }
0x3b: {  	s23 =	rddreg [dreg:$0xb]  }
0x3c: {  	[tilespmem:s2], [sflag:$0x1] =	stream.linear.gather [hbm4b:s23+s2], $0x190, $0x38;
	[tilespmem:$0x19640] =	vst v63  }
0x3d: {  	_ =	swait.ge [sflag:s7], $0x6400  }
0x3e: {  	[sflag:s7] =	ssyncset.done $0x0  }
0x3f: {  	s19 =	rddreg [dreg:$0xc];
	[sflag:s7] =	ssyncadd.s32 $0xFFFF9C00  }
0x40: {  	[hbm4b:s19+s31] =	stream.strided.scatter [tilespmem:s8], [sflag:$0xA], $0x6400, s0, s31, $0x38;
	[tilespmem:$0x19640] =	vst v63  }
0x41: {  	_ =	swait.ge [sflag:s14], $0x190  }
0x42: {  	[sflag:s14] =	ssyncset.done $0x0  }
0x43: {  	[sflag:s14] =	ssyncadd.s32 $0xFFFFFE70  }
0x44: {  	[tilespmem:s25], [sflag:$0x8] =	stream.indirect.gather [hbm4b:s4+s22], $0x40, s18, s22, $0xb8;
	[tilespmem:$0x19640] =	vst v63  }
0x45: {  	s20 =	rddreg [dreg:$0xd]  }
0x46: {  	[tilespmem:s22], [sflag:$0x2] =	stream.linear.gather [hbm4b:s20+s2], $0x190, $0x38;
	[tilespmem:$0x19640] =	vst v63  }
0x47: {  	_ =	swait.ge [sflag:s9], $0x6400  }
0x48: {  	[sflag:s9] =	ssyncset.done $0x0  }
0x49: {  	s23 =	rddreg [dreg:$0xe];
	[sflag:s9] =	ssyncadd.s32 $0xFFFF9C00  }
0x4a: {  	[hbm4b:s23+s31] =	stream.strided.scatter [tilespmem:s21], [sflag:$0xB], $0x6400, s0, s31, $0x38;
	[tilespmem:$0x19640] =	vst v63  }
0x4b: {  	_ =	swait.ge [sflag:s29], $0x190  }
0x4c: {  	[sflag:s29] =	ssyncset.done $0x0  }
0x4d: {  	[sflag:s29] =	ssyncadd.s32 $0xFFFFFE70  }
0x4e: {  	_ =	swait.ge [sflag:s10], $0x6400  }
0x4f: {  	[sflag:s10] =	ssyncset.done $0x0  }
0x50: {  	[sflag:s10] =	ssyncadd.s32 $0xFFFF9C00  }
0x51: {  	[tilespmem:s6], [sflag:$0x5] =	stream.indirect.gather [hbm4b:s4+s22], $0x40, s2, s22, $0xb8;
	[tilespmem:$0x19640] =	vst v63  }
0x52: {  	s19 =	rddreg [dreg:$0xf]  }
0x53: {  	[tilespmem:s16], [sflag:$0x3] =	stream.linear.gather [hbm4b:s19+s2], $0x190, $0x38;
	[tilespmem:$0x19640] =	vst v63  }
0x54: {  	_ =	swait.ge [sflag:s11], $0x6400  }
0x55: {  	[sflag:s11] =	ssyncset.done $0x0  }
0x56: {  	s20 =	rddreg [dreg:$0x10];
	[sflag:s11] =	ssyncadd.s32 $0xFFFF9C00  }
0x57: {  	[hbm4b:s20+s31] =	stream.strided.scatter [tilespmem:s25], [sflag:$0xC], $0x6400, s0, s31, $0x38;
	[tilespmem:$0x19640] =	vst v63  }
0x58: {  	_ =	swait.ge [sflag:s26], $0x190  }
0x59: {  	[sflag:s26] =	ssyncset.done $0x0  }
0x5a: {  	[sflag:s26] =	ssyncadd.s32 $0xFFFFFE70  }
0x5b: {  	_ =	swait.ge [sflag:s12], $0x6400  }
0x5c: {  	[sflag:s12] =	ssyncset.done $0x0  }
0x5d: {  	[sflag:s12] =	ssyncadd.s32 $0xFFFF9C00  }
0x5e: {  	[tilespmem:s8], [sflag:$0x6] =	stream.indirect.gather [hbm4b:s4+s22], $0x40, s22, s22, $0xb8;
	[tilespmem:$0x19640] =	vst v63  }
0x5f: {  	s23 =	rddreg [dreg:$0x11]  }
0x60: {  	[tilespmem:s18], [sflag:$0x4] =	stream.linear.gather [hbm4b:s23+s2], $0x190, $0x38;
	[tilespmem:$0x19640] =	vst v63  }
0x61: {  	_ =	swait.ge [sflag:s17], $0x6400  }
0x62: {  	[sflag:s17] =	ssyncset.done $0x0  }
0x63: {  	s23 =	rddreg [dreg:$0x16];
	[sflag:s17] =	ssyncadd.s32 $0xFFFF9C00  }
0x64: {  	[hbm4b:s23+s31] =	stream.strided.scatter [tilespmem:s6], [sflag:$0x9], $0x6400, s0, s31, $0x38;
	[tilespmem:$0x19640] =	vst v63  }
0x65: {  	_ =	swait.ge [sflag:s1], $0x190  }
0x66: {  	[sflag:s1] =	ssyncset.done $0x0  }
0x67: {  	s19 =	smin.u32 s14, $0xFB;
	[sflag:s1] =	ssyncadd.s32 $0xFFFFFE70  }
0x68: {  	s5 =	smul.u32 $0x190, s19;
	_ =	swait.ge [sflag:s13], $0x6400  }
0x69: {  	s20 =	rddreg [dreg:$0x2]  }
0x6a: {  	[sflag:s13] =	ssyncset.done $0x0;
	s5 =	sadd.s32 s5, s20  }
0x6b: {  	[sflag:s13] =	ssyncadd.s32 $0xFFFF9C00;
	s5 =	sshrl.u32 s5, $0x3  }
0x6c: {  	[tilespmem:s21], [sflag:$0x7] =	stream.indirect.gather [hbm4b:s4+s22], $0x40, s16, s22, $0xb8;
	[tilespmem:$0x19640] =	vst v63  }
0x6d: {  	s5 =	sadd.s32 s3, s5  }
0x6e: {  	[tilespmem:s2], [sflag:$0x1] =	stream.linear.gather [hbm4b:s5+s2], $0x190, $0x38;
	[tilespmem:$0x19640] =	vst v63  }
0x6f: {  	_ =	swait.ge [sflag:s7], $0x6400  }
0x70: {  	[sflag:s7] =	ssyncset.done $0x0  }
0x71: {  	s20 =	rddreg [dreg:$0x15];
	[sflag:s7] =	ssyncadd.s32 $0xFFFF9C00  }
0x72: {  	[hbm4b:s20+s31] =	stream.strided.scatter [tilespmem:s8], [sflag:$0xA], $0x6400, s0, s31, $0x38;
	[tilespmem:$0x19640] =	vst v63  }
0x73: {  	_ =	swait.ge [sflag:s14], $0x190  }
0x74: {  	[sflag:s14] =	ssyncset.done $0x0  }
0x75: {  	s17 =	smin.u32 s14, $0xFA;
	[sflag:s14] =	ssyncadd.s32 $0xFFFFFE70  }
0x76: {  	s5 =	smul.u32 $0x190, s17;
	_ =	swait.ge [sflag:s15], $0x6400  }
0x77: {  	[sflag:s15] =	ssyncset.done $0x0;
	s19 =	rddreg [dreg:$0x3]  }
0x78: {  	[sflag:s15] =	ssyncadd.s32 $0xFFFF9C00;
	s5 =	sadd.s32 s5, s19  }
0x79: {  	[tilespmem:s25], [sflag:$0x8] =	stream.indirect.gather [hbm4b:s4+s22], $0x40, s18, s22, $0xb8;
	[tilespmem:$0x19640] =	vst v63  }
0x7a: {  	s5 =	sshrl.u32 s5, $0x3  }
0x7b: {  	s5 =	sadd.s32 s3, s5  }
0x7c: {  	[tilespmem:s22], [sflag:$0x2] =	stream.linear.gather [hbm4b:s5+s2], $0x190, $0x38;
	[tilespmem:$0x19640] =	vst v63  }
0x7d: {  	_ =	swait.ge [sflag:s9], $0x6400  }
0x7e: {  	[sflag:s9] =	ssyncset.done $0x0  }
0x7f: {  	s19 =	rddreg [dreg:$0x14];
	[sflag:s9] =	ssyncadd.s32 $0xFFFF9C00  }
0x80: {  	[hbm4b:s19+s31] =	stream.strided.scatter [tilespmem:s21], [sflag:$0xB], $0x6400, s0, s31, $0x38;
	[tilespmem:$0x19640] =	vst v63  }
0x81: {  	_ =	swait.ge [sflag:s29], $0x190  }
0x82: {  	[sflag:s29] =	ssyncset.done $0x0  }
0x83: {  	s18 =	smin.u32 s14, $0xF9;
	[sflag:s29] =	ssyncadd.s32 $0xFFFFFE70  }
0x84: {  	s5 =	smul.u32 $0x190, s18;
	_ =	swait.ge [sflag:s10], $0x6400  }
0x85: {  	[sflag:s10] =	ssyncset.done $0x0;
	s21 =	rddreg [dreg:$0x4]  }
0x86: {  	[sflag:s10] =	ssyncadd.s32 $0xFFFF9C00;
	s5 =	sadd.s32 s5, s21  }
0x87: {  	[tilespmem:s6], [sflag:$0x5] =	stream.indirect.gather [hbm4b:s4+s22], $0x40, s2, s22, $0xb8;
	[tilespmem:$0x19640] =	vst v63  }
0x88: {  	s5 =	sshrl.u32 s5, $0x3  }
0x89: {  	s5 =	sadd.s32 s3, s5  }
0x8a: {  	[tilespmem:s16], [sflag:$0x3] =	stream.linear.gather [hbm4b:s5+s2], $0x190, $0x38;
	[tilespmem:$0x19640] =	vst v63  }
0x8b: {  	_ =	swait.ge [sflag:s11], $0x6400  }
0x8c: {  	[sflag:s11] =	ssyncset.done $0x0  }
0x8d: {  	s16 =	rddreg [dreg:$0x13];
	[sflag:s11] =	ssyncadd.s32 $0xFFFF9C00  }
0x8e: {  	[hbm4b:s16+s31] =	stream.strided.scatter [tilespmem:s25], [sflag:$0xC], $0x6400, s0, s31, $0x38;
	[tilespmem:$0x19640] =	vst v63  }
0x8f: {  	_ =	swait.ge [sflag:s26], $0x190  }
0x90: {  	[sflag:s26] =	ssyncset.done $0x0  }
0x91: {  	s17 =	simm.s32 $0x8;
	[sflag:s26] =	ssyncadd.s32 $0xFFFFFE70;
	s26 =	smin.u32 s14, $0xF8  }
0x92: {  	s6 =	simm.s32 $0x640;
	_ =	swait.ge [sflag:s12], $0x6400;
	s5 =	smul.u32 $0x190, s26  }
0x93: {  	s18 =	smov.u32 s16;
	[sflag:s12] =	ssyncset.done $0x0;
	s29 =	rddreg [dreg:$0x5]  }
0x94: {  	s25 =	simm.s32 $0xCE40;
	[sflag:s12] =	ssyncadd.s32 $0xFFFF9C00;
	s21 =	sadd.s32 s5, s29  }
0x95: {  	[tilespmem:s8], [sflag:$0x6] =	stream.indirect.gather [hbm4b:s4+s22], $0x40, s22, s22, $0xb8;
	[tilespmem:$0x19640] =	vst v63  }
0x96: {  	s5 =	sadd.s32 $0x6400, s20;
	s20 =	sadd.s32 $0x6400, s23;
	s8 =	simm.s32 $0x6A40  }
.LBB2_2:
0x97: {  	s16 =	sshrl.u32 s21, $0x3  }
0x98: {  	s29 =	simm.s32 $0x4B0;
	s23 =	simm.s32 $0x5;
	s16 =	sadd.s32 s3, s16  }
0x99: {  	[tilespmem:s29], [sflag:$0x4] =	stream.linear.gather [hbm4b:s16+s2], $0x190, $0x38;
	[tilespmem:$0x19640] =	vst v63  }
0x9a: {  	_ =	swait.ge [sflag:s23], $0x6400  }
0x9b: {  	[sflag:s23] =	ssyncset.done $0x0  }
0x9c: {  	[sflag:s23] =	ssyncadd.s32 $0xFFFF9C00  }
0x9d: {  	[hbm4b:s20+s31] =	stream.strided.scatter [tilespmem:s6], [sflag:$0x9], $0x6400, s0, s31, $0x38;
	[tilespmem:$0x19640] =	vst v63  }
0x9e: {  	_ =	swait.ge [sflag:s1], $0x190  }
0x9f: {  	s21 =	smov.u32 s17;
	[sflag:s1] =	ssyncset.done $0x0  }
0xa0: {  	s26 =	smin.u32 s21, $0xFB;
	[sflag:s1] =	ssyncadd.s32 $0xFFFFFE70  }
0xa1: {  	s16 =	smul.u32 $0x190, s26;
	_ =	swait.ge [sflag:s13], $0x6400  }
0xa2: {  	s23 =	rddreg [dreg:$0x2]  }
0xa3: {  	[sflag:s13] =	ssyncset.done $0x0;
	s16 =	sadd.s32 s16, s23  }
0xa4: {  	[sflag:s13] =	ssyncadd.s32 $0xFFFF9C00;
	s16 =	sshrl.u32 s16, $0x3  }
0xa5: {  	[tilespmem:s25], [sflag:$0x7] =	stream.indirect.gather [hbm4b:s4+s22], $0x40, s24, s22, $0xb8;
	[tilespmem:$0x19640] =	vst v63  }
0xa6: {  	s16 =	sadd.s32 s3, s16  }
0xa7: {  	[tilespmem:s2], [sflag:$0x1] =	stream.linear.gather [hbm4b:s16+s2], $0x190, $0x38;
	[tilespmem:$0x19640] =	vst v63  }
0xa8: {  	_ =	swait.ge [sflag:s7], $0x6400  }
0xa9: {  	[sflag:s7] =	ssyncset.done $0x0  }
0xaa: {  	[sflag:s7] =	ssyncadd.s32 $0xFFFF9C00  }
0xab: {  	[hbm4b:s5+s31] =	stream.strided.scatter [tilespmem:s8], [sflag:$0xA], $0x6400, s0, s31, $0x38;
	[tilespmem:$0x19640] =	vst v63  }
0xac: {  	_ =	swait.ge [sflag:s14], $0x190  }
0xad: {  	[sflag:s14] =	ssyncset.done $0x0  }
0xae: {  	s26 =	smin.u32 s21, $0xFA;
	[sflag:s14] =	ssyncadd.s32 $0xFFFFFE70  }
0xaf: {  	s16 =	smul.u32 $0x190, s26;
	_ =	swait.ge [sflag:s15], $0x6400  }
0xb0: {  	[sflag:s15] =	ssyncset.done $0x0;
	s23 =	rddreg [dreg:$0x3]  }
0xb1: {  	[sflag:s15] =	ssyncadd.s32 $0xFFFF9C00;
	s16 =	sadd.s32 s16, s23  }
0xb2: {  	[tilespmem:s28], [sflag:$0x8] =	stream.indirect.gather [hbm4b:s4+s22], $0x40, s29, s22, $0xb8;
	[tilespmem:$0x19640] =	vst v63  }
0xb3: {  	s16 =	sshrl.u32 s16, $0x3  }
0xb4: {  	s16 =	sadd.s32 s3, s16  }
0xb5: {  	[tilespmem:s22], [sflag:$0x2] =	stream.linear.gather [hbm4b:s16+s2], $0x190, $0x38;
	[tilespmem:$0x19640] =	vst v63  }
0xb6: {  	_ =	swait.ge [sflag:s9], $0x6400  }
0xb7: {  	[sflag:s9] =	ssyncset.done $0x0  }
0xb8: {  	s19 =	sadd.s32 $0x6400, s19;
	s29 =	simm.s32 $0x1;
	[sflag:s9] =	ssyncadd.s32 $0xFFFF9C00  }
0xb9: {  	[hbm4b:s19+s31] =	stream.strided.scatter [tilespmem:s25], [sflag:$0xB], $0x6400, s0, s31, $0x38;
	[tilespmem:$0x19640] =	vst v63  }
0xba: {  	_ =	swait.ge [sflag:s29], $0x190  }
0xbb: {  	[sflag:s29] =	ssyncset.done $0x0  }
0xbc: {  	s23 =	smin.u32 s21, $0xF9;
	[sflag:s29] =	ssyncadd.s32 $0xFFFFFE70  }
0xbd: {  	s16 =	smul.u32 $0x190, s23;
	_ =	swait.ge [sflag:s10], $0x6400  }
0xbe: {  	[sflag:s10] =	ssyncset.done $0x0;
	s23 =	rddreg [dreg:$0x4]  }
0xbf: {  	[sflag:s10] =	ssyncadd.s32 $0xFFFF9C00;
	s16 =	sadd.s32 s16, s23  }
0xc0: {  	[tilespmem:s6], [sflag:$0x5] =	stream.indirect.gather [hbm4b:s4+s22], $0x40, s2, s22, $0xb8;
	[tilespmem:$0x19640] =	vst v63  }
0xc1: {  	s16 =	sshrl.u32 s16, $0x3  }
0xc2: {  	s16 =	sadd.s32 s3, s16  }
0xc3: {  	[tilespmem:s24], [sflag:$0x3] =	stream.linear.gather [hbm4b:s16+s2], $0x190, $0x38;
	[tilespmem:$0x19640] =	vst v63  }
0xc4: {  	_ =	swait.ge [sflag:s11], $0x6400  }
0xc5: {  	[sflag:s11] =	ssyncset.done $0x0  }
0xc6: {  	s18 =	sadd.s32 $0x6400, s18;
	[sflag:s11] =	ssyncadd.s32 $0xFFFF9C00  }
0xc7: {  	[hbm4b:s18+s31] =	stream.strided.scatter [tilespmem:s28], [sflag:$0xC], $0x6400, s0, s31, $0x38;
	[tilespmem:$0x19640] =	vst v63  }
0xc8: {  	_ =	swait.ge [sflag:s30], $0x190  }
0xc9: {  	p0 =	sne.s32 s17, $0xFC;
	s17 =	sadd.s32 $0x4, s17;
	[sflag:s30] =	ssyncset.done $0x0  }
.Ltmp0:
0xca: {  	s21 =	smin.u32 s21, $0xF8;
	[sflag:s30] =	ssyncadd.s32 $0xFFFFFE70;
	(pc) =	sbr.rel @p0 .LBB2_2-.Ltmp0, $4  }
0xcb: {  	s20 =	sadd.s32 $0x6400, s20;
	s16 =	smul.u32 $0x190, s21;
	_ =	swait.ge [sflag:s12], $0x6400  }
0xcc: {  	s26 =	simm.s32 $0x4B0;
	[sflag:s12] =	ssyncset.done $0x0;
	s23 =	rddreg [dreg:$0x5]  }
0xcd: {  	s5 =	sadd.s32 $0x6400, s5;
	[sflag:s12] =	ssyncadd.s32 $0xFFFF9C00;
	s21 =	sadd.s32 s16, s23  }
0xce: {  	[tilespmem:s8], [sflag:$0x6] =	stream.indirect.gather [hbm4b:s4+s22], $0x40, s22, s22, $0xb8;
	[tilespmem:$0x19640] =	vst v63  }
0xcf: {  	s5 =	sshrl.u32 s21, $0x3  }
0xd0: {  	s5 =	sadd.s32 s3, s5  }
0xd1: {  	[tilespmem:s26], [sflag:$0x4] =	stream.linear.gather [hbm4b:s5+s2], $0x190, $0x38;
	[tilespmem:$0x19640] =	vst v63  }
0xd2: {  	_ =	swait.ge [sflag:s13], $0x6400  }
0xd3: {  	[sflag:s13] =	ssyncset.done $0x0  }
0xd4: {  	[sflag:s13] =	ssyncadd.s32 $0xFFFF9C00  }
0xd5: {  	_ =	swait.ge [sflag:s15], $0x6400  }
0xd6: {  	[sflag:s15] =	ssyncset.done $0x0  }
0xd7: {  	s25 =	simm.s32 $0x5;
	[sflag:s15] =	ssyncadd.s32 $0xFFFF9C00  }
0xd8: {  	_ =	swait.ge [sflag:s25], $0x6400  }
0xd9: {  	[sflag:s25] =	ssyncset.done $0x0  }
0xda: {  	[sflag:s25] =	ssyncadd.s32 $0xFFFF9C00  }
0xdb: {  	_ =	swait.ge [sflag:s7], $0x6400  }
0xdc: {  	[sflag:s7] =	ssyncset.done $0x0  }
0xdd: {  	[sflag:s7] =	ssyncadd.s32 $0xFFFF9C00  }
0xde: {  	_ =	swait.ge [sflag:s1], $0x190  }
0xdf: {  	[sflag:s1] =	ssyncset.done $0x0  }
0xe0: {  	[sflag:s1] =	ssyncadd.s32 $0xFFFFFE70  }
0xe1: {  	_ =	swait.ge [sflag:s14], $0x190  }
0xe2: {  	s17 =	rddreg [dreg:$0x17]  }
0xe3: {  	s26 =	rddreg [dreg:$0x12];
	s17 =	sadd.s32 $0x1, s17  }
0xe4: {  	p0 =	sne.s32 s17, s26  }
.Ltmp1:
0xe5: {  	_ = 	snop;
	(pc) =	sbr.rel @p0 .LBB2_1-.Ltmp1, $4  }
0xe6: {  	_ = 	snop  }
0xe7: {  	s16 =	simm.s32 $0x320;
	s6 =	simm.s32 $0x640  }
0xe8: {  	s8 =	simm.s32 $0x6A40;
	s21 =	simm.s32 $0xCE40;
	[sflag:s14] =	ssyncset.done $0x0  }
0xe9: {  	s25 =	simm.s32 $0x13240;
	[sflag:s14] =	ssyncadd.s32 $0xFFFFFE70;
	s26 =	simm.s32 $0x2  }
0xea: {  	_ =	sfence.sel $0x180000  }
0xeb: {  	[bflag:$0x0] =	sbarrier.arrive $0xFFFF  }
0xec: {  	_ =	strace $0x90000047  }
0xed: {  	s0 =	stileid.u32;
	[bflag:$0x2] =	sbarrier.arrive $0xFFFF  }
0xee: {  	p0 =	sne.s32 s0, $0x0;
	s0 =	rddreg [dreg:$0x1]  }
0xef: {  	s0 =	sadd.s32 @!p0 $0x100000, s0  }
0xf0: {  	[sflag:s0] =	ssyncadd.tile.s32 @!p0 $0x1;
	_ =	shalt  }
.Lfunc_end2:
_tile_overlayer_lowered:
.L_overlay_start_2:
0xf1: {  	(tag) =	ssettag $0x2  }
0xf2: {  	s0 =	rddreg [dreg:$0x0];
	s2 =	stileid.u32  }
0xf3: {  	s1 =	rddreg [dreg:$0x1];
	p0 =	sne.s32 s2, $0x0  }
0xf4: {  	s3 =	rddreg [dreg:$0x2];
	[bflag:$0x3] =	sbarrier.arrive $0xFFFF;
	s2 =	simm.s32 @!p0 $0x1C0D  }
0xf5: {  	[timem:s3], [sflag:s2] =	dma.local @!p0 [hbm:s0], s1  }
0xf6: {  	s0 =	simm.s32 @!p0 $0xD  }
0xf7: {  	_ =	swait.ge @!p0 [sflag:s0], s1  }
0xf8: {  	s1 =	ssub.s32 @!p0 $0x0, s1;
	[sflag:s0] =	ssyncset.done @!p0 $0x0  }
0xf9: {  	[sflag:s0] =	ssyncadd.s32 @!p0 s1  }
0xfa: {  	[bflag:$0x3] =	sbarrier.arrive $0xFFFF  }
0xfb: {  	_ =	shalt  }

// kernel: sparse-core-data-format-call.cloned.1.call-start
scs
called_computation_lowered:
.L_overlay_start_0:
0x0: {  	s2 =	sld [smem:$0x3FD9]  }
0x1: {  	s3 =	sld [smem:$0x3FFE];
	_ =	sdelay $0x1  }
0x2: {  	s1 =	srdreg.scid  }
0x3: {  	s0 =	sand.u32 $0x1, s1  }
0x4: {  	s18 =	sshll.u32 s0, $0xA;
	s2 =	sadd.s32 s3, s2  }
0x5: {  	s2 =	sadd.s32 s2, s18  }
0x6: {  	[smem:$0x3FC6] =	sst s2  }
0x7: {  	_ = 	snop  }
0x8: {  	s2 =	sld [smem:$0x3FD0];
	(tm) =	ssettm $0x1  }
0x9: {  	s19 =	sld [smem:$0x3FFB];
	_ =	sdelay $0x3  }
0xa: {  	_ =	strace s19  }
0xb: {  	s3 =	sld [smem:$0x3FFC];
	_ =	sdelay $0x3  }
0xc: {  	_ =	strace s3  }
0xd: {  	s3 =	sld [smem:$0x3FFD];
	_ =	sdelay $0x3  }
0xe: {  	_ =	strace s3  }
0xf: {  	_ =	strace $0x8FFFFFFF  }
0x10: {  	s20 =	sld [smem:$0x3FDB];
	_ =	sdelay $0x1  }
0x11: {  	s4 =	simm.s32 $_scs_section_size  }
0x12: {  	s5 =	simm.s32 $_size__tile_overlayer_lowered;
	s6 =	simm.s32 $_tile_overlayer_lowered  }
0x13: {  	s23 =	simm.s32 $0x1BFF;
	s22 =	sshll.u32 s6, $0x1;
	s3 =	sadd.s32 s4, s20  }
0x14: {  	s7 =	simm.s32 $0x0;
	s21 =	sshll.u32 s5, $0x1;
	s5 =	sadd.s32 s22, s3  }
0x15: {  	[timem:s7], [sflag:s23] =	dma.local [hbm:s5], s21  }
0x16: {  	_ =	swait.ge [sflag:s23], s21  }
0x17: {  	s4 =	ssub.s32 $0x0, s21;
	[sflag:s23] =	ssyncset.done $0x0  }
0x18: {  	[sflag:s23] =	ssyncadd.s32 s4;
	_ =	sdelay $0x1  }
0x19: {  	s24 =	simm.s32 $0x1B8B  }
0x1a: {  	_ =	swait.ge [sflag:s24], $0x1  }
0x1b: {  	[sflag:s24] =	ssyncset.done $0x0  }
0x1c: {  	s26 =	simm.s32 $0x1B8E;
	s25 =	sld [smem:$0x3FFE];
	[sflag:s24] =	ssyncadd.s32 $0xFFFFFFFF  }
0x1d: {  	s27 =	simm.s32 $execute0_lowered;
	[smem:$0x3FD2] =	sst s26  }
0x1e: {  	s5 =	sshll.u32 s27, $0x1;
	_ =	strace $0x80000049;
	[dreg:$0x1] =	wrdreg $0xFFFFFFFF  }
0x1f: {  	s28 =	simm.s32 $_size_execute0_lowered;
	s3 =	sadd.s32 s3, s5;
	[dreg:$0x0] =	wrdreg $0x0  }
0x20: {  	s5 =	sshll.u32 s28, $0x1;
	[dreg:$0x2] =	wrdreg s3  }
0x21: {  	[dreg:$0x3] =	wrdreg s5  }
0x22: {  	[dreg:$0x4] =	wrdreg $0xC0  }
0x23: {  	_ =	task [dreg:s7], $0x5FFFF  }
0x24: {  	[dreg:$0x1] =	wrdreg $0xFFFFFFFF  }
0x25: {  	[dreg:$0x0] =	wrdreg $0x60  }
0x26: {  	[dreg:$0x2] =	wrdreg s25  }
0x27: {  	[dreg:$0x3] =	wrdreg s2  }
0x28: {  	[dreg:$0x4] =	wrdreg $0x9  }
0x29: {  	_ =	task.clear_ibuf [dreg:s7], $0x5FFFF;
	_ =	strace $0x90000049  }
0x2a: {  	s29 =	simm.s32 $0x9;
	_ =	strace $0x8000004B  }
0x2b: {  	_ =	swait.ge [sflag:s29], $0x1  }
0x2c: {  	[sflag:s29] =	ssyncadd.s32 $0xFFFFFFFF  }
0x2d: {  	_ =	strace $0x9000004B  }
0x2e: {  	_ =	sfence  }
0x2f: {  	s30 =	sld [smem:$0x0];
	_ =	sdelay $0x2  }
0x30: {  	s31 =	sshll.u32 s1, $0xD;
	s1 =	sshrl.u32 s1, $0x2  }
0x31: {  	s3 =	sand.u32 $0x4000, s31;
	s1 =	sadd.s32 s1, s30  }
0x32: {  	s0 =	sor.u32 s3, s0;
	s1 =	sshll.u32 s1, $0x11  }
0x33: {  	s0 =	sor.u32 s1, s0  }
0x34: {  	s0 =	sadd.s32 $0x8F2B, s0  }
0x35: {  	[sflag:s0] =	ssyncadd.remote.s32 $0x1  }
0x36: {  	_ =	sfence.sel $0xFFFF  }
0x37: {  	[dreg:$0x0] =	wrdreg $0xFFFFFFFF;
	(pc) =	sbr.abs _section_cstart, $3  }
0x38: {  	[dreg:$0x1] =	wrdreg $0xFFFFFFFF  }
0x39: {  	_ =	task.clear_ibuf [dreg:s7], $0x2FFFF;
	_ =	strace $0x9FFFFFFF  }
0x3a: {  	(tm) =	ssettm $0x7FFFFFFF  }
0x3b: {  	_ =	shalt  }
tec
execute0_lowered:
.L_overlay_start_1:
0x0: {  	(tag) =	ssettag $0x1  }
0x1: {  	s0 =	srdreg.scid  }
0x2: {  	s1 =	sshll.u32 s0, $0x4  }
0x3: {  	s0 =	stileid.u32;
	s1 =	sand.u32 $0x10, s1  }
0x4: {  	s1 =	sor.u32 s0, s1  }
0x5: {  	s6 =	rddreg [dreg:$0x0];
	s4 =	simm.s32 $0x1;
	s2 =	sshll.u32 s1, $0x7  }
0x6: {  	s7 =	simm.s32 $0x2;
	s12 =	simm.s32 $0x0;
	s1 =	ssub.s32 $0x4000, s2  }
0x7: {  	s8 =	simm.s32 $0x20000;
	s13 =	simm.s32 $0x0;
	s3 =	sand.u32 $0xF80, s1  }
0x8: {  	s9 =	simm.s32 $0x0;
	s5 =	sshrl.u32 s1, $0xC;
	p0 =	sne.s32 s3, $0x0  }
.Ltmp0:
0x9: {  	s1 =	rddreg [dreg:$0x2];
	s4 =	simm.s32 @!p0 $0x0;
	(pc) =	sbr.rel .LBB1_1-.Ltmp0, $4  }
0xa: {  	s11 =	simm.s32 $0x0;
	s3 =	rddreg [dreg:$0x1];
	s5 =	sadd.s32 s4, s5  }
0xb: {  	_ =	strace $0x8000004A;
	s4 =	simm.s32 $0x1;
	s5 =	smul.u32 $0xC8, s5  }
0xc: {  	s6 =	sadd.s32 $0x805A00, s6;
	s10 =	smov.u32 s2;
	[sflag:s4] =	ssyncpa.u1 $0x0  }
0xd: {  	p0 =	por $0x0, $0x0;
	[sflag:s7] =	ssyncpa.u1 $0x0;
	s7 =	sor.u32 $0x1, s5  }
.LBB1_4:
0xe: {  	s16 =	sshll.u32 s13, $0x3;
	s17 =	sand.u32 $0x78, s13  }
0xf: {  	s30 =	sand.u32 $0x1F800, s13;
	s12 =	sshll.u32 s12, $0x11;
	s16 =	sand.u32 $0x3C00, s16  }
0x10: {  	[tilespmem:s15+$0x810 ss:$0x81] =	vst.msk $0xffff, v2;
	s31 =	sand.u32 $0x7, s13;
	s16 =	sor.u32 s17, s16;
	s17 =	sadd.s32 s3, s30  }
0x11: {  	[tilespmem:s15+$0x1020 ss:$0x81] =	vst.msk $0xffff, v0;
	s13 =	sshll.u32 s31, $0x12;
	s12 =	sadd.s32 s12, s17;
	s16 =	sshrl.u32 s16, $0x3  }
0x12: {  	[tilespmem:s15+$0x0 ss:$0x81] =	vst.msk $0xffff, v1;
	s13 =	sor.u32 $0x400, s13;
	s12 =	sadd.s32 s16, s12  }
0x13: {  	[hbm4b:s12+s13] =	stream.strided.scatter [tilespmem:s14], [sflag:$0x2], $0x2000, s8, s13, $0x20;
	[tilespmem:$0x8080] =	vst v63  }
.LBB1_5:
0x14: {  	s14 =	sadd.s32 $0x1, s9  }
0x15: {  	s12 =	sadd.s32 $0x1000, s10;
	s16 =	smov.u32 s10;
	p2 =	sgt.s32 s14, $0xC7  }
0x16: {  	s16 =	smov.u32 @p2 s12  }
0x17: {  	s14 =	simm.s32 @p2 $0x0;
	p2 =	sgt.s32 s16, $0x3FFF  }
0x18: {  	s16 =	smov.u32 @p2 s2;
	p2 =	sne.s32 s11, s7  }
.Ltmp1:
0x19: {  	p1 =	slt.u32 s11, $0x2;
	(pc) =	sbr.rel @!p2 .LBB1_6-.Ltmp1, $4  }
0x1a: {  	s15 =	simm.s32 @!p1 $0x2  }
0x1b: {  	s13 =	smov.u32 s10;
	p0 =	por !p0, !p0;
	_ =	swait.ge @!p1 [sflag:s15], $0x2000  }
0x1c: {  	s12 =	smov.u32 s9;
	[sflag:s15] =	ssyncset.done @!p1 $0x0;
	s9 =	smov.u32 s14  }
0x1d: {  	s11 =	sadd.s32 $0x1, s11;
	[sflag:s15] =	ssyncadd.s32 @!p1 $0xFFFFE000;
	s10 =	smov.u32 s16  }
.LBB1_1:
0x1e: {  	p1 =	sge.u32 s11, s5  }
0x1f: {  	s14 =	sand.u32 @!p1 $0x1FFFFFF, s9  }
0x20: {  	s15 =	smulhi.u32 @!p1 $0x147AE15, s14;
	_ =	sdelay $0x1  }
0x21: {  	s15 =	smul.u32 @!p1 $0xC8, s15  }
0x22: {  	s16 =	sxor.u32 @!p1 $0xFFFFFFFF, s11;
	s17 =	smul.u32 @!p1 $0xC80, s10  }
0x23: {  	s31 =	sadd.s32 $0xFFFFFFFF, s11;
	s16 =	sshll.u32 @!p1 s16, $0xD;
	s14 =	ssub.s32 @!p1 s14, s15  }
0x24: {  	s15 =	sand.u32 @!p1 $0x2000, s16;
	s16 =	sadd.s32 @!p1 s6, s17;
	s14 =	sshll.u32 @!p1 s14, $0x4  }
0x25: {  	s17 =	simm.s32 @!p1 $0x6400;
	s14 =	sadd.s32 @!p1 s14, s16;
	s16 =	simm.s32 @!p1 $0x40  }
0x26: {  	[tilespmem:s15], [sflag:$0x1] =	stream.strided.gather @!p1 [hbm4b:s14+s16], $0x2000, s17, s16, $0x38;
	[tilespmem:$0x8080] =	vst v63  }
0x27: {  	p1 =	sge.u32 s31, s5  }
.Ltmp2:
0x28: {  	_ = 	snop;
	(pc) =	sbr.rel @p1 .LBB1_5-.Ltmp2, $1  }
0x29: {  	_ =	sdelay $0x3  }
0x2a: {  	s14 =	simm.s32 $0x1  }
0x2b: {  	_ =	swait.ge [sflag:s4], $0x2000;
	s14 =	simm.s32 @!p0 $0x0  }
0x2c: {  	[sflag:s4] =	ssyncset.done $0x0;
	s15 =	sshll.u32 s14, $0xD  }
0x2d: {  	[sflag:s4] =	ssyncadd.s32 $0xFFFFE000;
	s18 =	sor.u32 $0x20, s15  }
0x2e: {  	s14 =	smul.u32 $0x8100, s14;
	v3 =	vld [tilespmem:s18+$0x10]  }
0x2f: {  	s30 =	sand.u32 $0x1, s11;
	v2 =	vld [tilespmem:s18+$0xFFFFFFF0]  }
0x30: {  	s15 =	smul.u32 $0x8100, s30;
	s14 =	sshrl.u32 s14, $0x2;
	v0 =	vld [tilespmem:s18+$0x0]  }
0x31: {  	v1 =	vld [tilespmem:s18+$0xFFFFFFE0];
	s16 =	sor.u32 $0x4000, s14  }
0x32: {  	s31 =	sshrl.u32 s15, $0x2;
	s15 =	sadd.s32 $0x0, s16  }
0x33: {  	s17 =	simm.s32 $0x4;
	s18 =	sadd.s32 $0x40, s18;
	s14 =	sor.u32 $0x4000, s31;
	[tilespmem:s15+$0x1830 ss:$0x81] =	vst.msk $0xffff, v3  }
.LBB1_3:
0x34: {  	v3 =	vld [tilespmem:s18+$0x10];
	p1 =	sne.s32 s17, $0x1FC;
	[tilespmem:s15+$0x810 ss:$0x81] =	vst.msk $0xffff, v2;
	s19 =	smov.u32 s17;
	s17 =	sadd.s32 $0x4, s17  }
.Ltmp3:
0x35: {  	v2 =	vld [tilespmem:s18+$0xFFFFFFF0];
	[tilespmem:s15+$0x1020 ss:$0x81] =	vst.msk $0xffff, v0;
	(pc) =	sbr.rel @p1 .LBB1_3-.Ltmp3, $4  }
0x36: {  	v0 =	vld [tilespmem:s18+$0x0];
	[tilespmem:s15+$0x0 ss:$0x81] =	vst.msk $0xffff, v1  }
0x37: {  	s15 =	sshra.s32 s19, $0x2;
	v1 =	vld [tilespmem:s18+$0xFFFFFFE0]  }
0x38: {  	s15 =	sadd.s32 s15, s16  }
0x39: {  	s18 =	sadd.s32 $0x40, s18;
	[tilespmem:s15+$0x1830 ss:$0x81] =	vst.msk $0xffff, v3  }
.Ltmp4:
0x3a: {  	_ = 	snop;
	(pc) =	sbr.rel .LBB1_4-.Ltmp4, $1  }
0x3b: {  	_ =	sdelay $0x3  }
.LBB1_6:
0x3c: {  	_ =	sfence.sel $0x180000  }
0x3d: {  	s2 =	simm.s32 $0x1;
	[bflag:$0x0] =	sbarrier.arrive $0xFFFF  }
0x3e: {  	s31 =	simm.s32 $0x2;
	[sflag:s2] =	ssyncpa.u1 $0x1  }
0x3f: {  	[sflag:s31] =	ssyncpa.u1 $0x1  }
0x40: {  	p0 =	sne.s32 s0, $0x0;
	_ =	strace $0x9000004A  }
0x41: {  	s0 =	sadd.s32 @!p0 $0x100000, s1;
	[bflag:$0x2] =	sbarrier.arrive $0xFFFF  }
0x42: {  	[sflag:s0] =	ssyncadd.tile.s32 @!p0 $0x1;
	_ =	shalt  }
.Lfunc_end1:
_tile_overlayer_lowered:
.L_overlay_start_2:
0x43: {  	(tag) =	ssettag $0x2  }
0x44: {  	s0 =	rddreg [dreg:$0x0];
	s2 =	stileid.u32  }
0x45: {  	s1 =	rddreg [dreg:$0x1];
	p0 =	sne.s32 s2, $0x0  }
0x46: {  	s3 =	rddreg [dreg:$0x2];
	[bflag:$0x3] =	sbarrier.arrive $0xFFFF;
	s2 =	simm.s32 @!p0 $0x1C01  }
0x47: {  	[timem:s3], [sflag:s2] =	dma.local @!p0 [hbm:s0], s1  }
0x48: {  	s0 =	simm.s32 @!p0 $0x1  }
0x49: {  	_ =	swait.ge @!p0 [sflag:s0], s1  }
0x4a: {  	s1 =	ssub.s32 @!p0 $0x0, s1;
	[sflag:s0] =	ssyncset.done @!p0 $0x0  }
0x4b: {  	[sflag:s0] =	ssyncadd.s32 @!p0 s1  }
0x4c: {  	[bflag:$0x3] =	sbarrier.arrive $0xFFFF  }
0x4d: {  	_ =	shalt  }

</sc_bundles>
